<compile_context>
chip_gen: v7x
topology: tpu7x:2x2x1
jax: 0.10.2.dev20260603
libtpu: 0.0.44.dev20260713+nightly
codegen_flags: <defaults>
</compile_context>

<pallas_src>
import functools

import jax
import jax.numpy as jnp
from jax import lax
from jax.experimental import pallas as pl
from jax.experimental.pallas import tpu as pltpu
from jax.experimental.pallas import tpu_sc as plsc

DIMS = 64
BATCH = 16384
MAXPOS = 100000
MAXPAD = 100096
LANES = 16
NCHUNKS = BATCH // LANES
STRIPE = 6272
SUPER = 512
NSUP = 13
OUT_ROWS = BATCH + LANES
BBITS = 14


def _pe_kernel(xy_ref, tx_ref, ty_ref, out_x_ref, out_y_ref,
               idx_all, hits, colhits, slabs, rows,
               sem_s0, sem_s1):
    c = lax.axis_index("c")
    s = lax.axis_index("s")
    iota = lax.iota(jnp.int32, LANES)

    def count(mask):
        return plsc.all_reduce_population_count(mask)[0]

    def sup_base(j_rel):
        return pl.multiple_of(
            jnp.minimum(s * STRIPE + j_rel * SUPER, MAXPAD - SUPER), 128)

    def stage(j_rel, parity, parity_sem):
        base = sup_base(j_rel)

        @pl.when(c == 0)
        def _():
            pltpu.async_copy(tx_ref.at[:, pl.ds(base, SUPER)],
                             slabs.at[parity], parity_sem)

        @pl.when(c == 1)
        def _():
            pltpu.async_copy(ty_ref.at[:, pl.ds(base, SUPER)],
                             slabs.at[parity], parity_sem)

    pltpu.sync_copy(xy_ref.at[c], idx_all)

    stage(0, 0, sem_s0)
    stage(1, 1, sem_s1)

    @plsc.parallel_loop(0, NCHUNKS, step=1, unroll=4, carry=jnp.int32(0))
    def scan_loop(k, off):
        v = idx_all[pl.ds(k * LANES, LANES)]
        mine = (((v >> 7) * 2675) >> 17) == s
        packed = (v << BBITS) | (k * LANES + iota)
        plsc.store_compressed(hits.at[pl.ds(off, LANES)], packed, mask=mine)
        return off + count(mine)

    mycount = scan_loop
    nsub = (mycount + LANES - 1) // LANES

    def process_super(j_rel, parity, wait_sem):
        base = sup_base(j_rel)

        pltpu.make_async_copy(tx_ref.at[:, pl.ds(0, SUPER)],
                              slabs.at[parity], wait_sem).wait()

        def sub_scan(k2, off2):
            pk = hits[pl.ds(k2 * LANES, LANES)]
            v2 = pk >> BBITS
            valid = (k2 * LANES + iota) < mycount
            m2 = valid & (((v2 - s * STRIPE) >> 9) == j_rel)
            pk2 = ((v2 - base) << BBITS) | (pk & (BATCH - 1))
            plsc.store_compressed(colhits.at[pl.ds(off2, LANES)], pk2,
                                  mask=m2)
            return off2 + count(m2)

        nhits = lax.fori_loop(0, nsub, sub_scan, jnp.int32(0))

        def extract_to(out_ref):
            def body(k3, carry):
                pk3 = colhits[pl.ds(k3 * LANES, LANES)]
                valid = (k3 * LANES + iota) < nhits
                pi = jnp.where(valid, pk3 >> BBITS, 0)
                bv = jnp.where(valid, pk3 & (BATCH - 1), jnp.int32(BATCH))
                slab = slabs.at[parity]

                @plsc.parallel_loop(0, DIMS, step=1, unroll=8)
                def _(d):
                    dvec = jnp.full((LANES,), 1, jnp.int32) * d
                    vals = plsc.load_gather(slab, [dvec, pi])
                    plsc.store_scatter(rows, [iota, dvec], vals)

                pltpu.sync_copy(rows, out_ref.at[bv])
                return carry

            lax.fori_loop(0, (nhits + LANES - 1) // LANES, body,
                          jnp.int32(0))

        @pl.when(c == 0)
        def _():
            extract_to(out_x_ref)

        @pl.when(c == 1)
        def _():
            extract_to(out_y_ref)

    def sup_pair(j_pair, carry):
        for p, psem in ((0, sem_s0), (1, sem_s1)):
            j_rel = j_pair * 2 + p
            process_super(j_rel, p, psem)

            @pl.when(j_rel < NSUP + 1 - 2)
            def _():
                stage(j_rel + 2, p, psem)
        return carry

    lax.fori_loop(0, (NSUP + 1) // 2, sup_pair, jnp.int32(0))


@jax.jit
def kernel(xy_tensor, pe_x, pe_y):
    tx = pe_x.T
    ty = pe_y.T
    xy = xy_tensor.astype(jnp.int32)

    mesh = plsc.VectorSubcoreMesh(core_axis_name="c", subcore_axis_name="s")
    run = pl.kernel(
        _pe_kernel,
        mesh=mesh,
        compiler_params=pltpu.CompilerParams(
            use_tc_tiling_on_sc=True, needs_layout_passes=False),
        out_type=(
            jax.ShapeDtypeStruct((OUT_ROWS, 128), jnp.float32),
            jax.ShapeDtypeStruct((OUT_ROWS, 128), jnp.float32),
        ),
        scratch_types=[
            pltpu.VMEM((BATCH,), jnp.int32),
            pltpu.VMEM((BATCH + LANES,), jnp.int32),
            pltpu.VMEM((BATCH + LANES,), jnp.int32),
            pltpu.VMEM((2, DIMS, SUPER), jnp.float32),
            pltpu.VMEM((LANES, 128), jnp.float32),
            pltpu.SemaphoreType.DMA,
            pltpu.SemaphoreType.DMA,
        ],
    )
    ox, oy = run(xy, tx, ty)
    return (ox[:BATCH, :DIMS], oy[:BATCH, :DIMS])

# --- scband reference (transcript-rebuilt; emitter-appended) ---
"""Pipeline reference for scband-positional-encoder-6605659701782 (READ-ONLY COPY).

The authoritative reference and input builder live on the scoring server;
editing this copy changes nothing except your own understanding.
"""

import jax, jax.numpy as jnp
import numpy as np

DIMS = 64
MAX_X = 100000
MAX_Y = 100000
BATCH = 16384


def _make_pe(mx, dims):
    # Faithful vectorization of the torch loop:
    #   pe[pos, i]   = sin(pos / 10000 ** (2*i/dims))
    #   pe[pos, i+1] = cos(pos / 10000 ** (2*(i+1)/dims))   for i in range(0, dims, 2)
    pos = np.arange(mx, dtype=np.float64)[:, None]
    i = np.arange(0, dims, 2, dtype=np.float64)
    pe = np.zeros((mx, dims), dtype=np.float64)
    pe[:, 0::2] = np.sin(pos / np.power(10000.0, 2.0 * i / dims))
    pe[:, 1::2] = np.cos(pos / np.power(10000.0, 2.0 * (i + 1.0) / dims))
    return jnp.asarray(pe, dtype=jnp.float32)


def setup_inputs(seed: int = 0) -> dict:
    key = jax.random.key(seed)
    kx, ky = jax.random.split(key)
    x = jax.random.randint(kx, (BATCH,), 0, MAX_X, dtype=jnp.int64 if jax.config.jax_enable_x64 else jnp.int32)
    y = jax.random.randint(ky, (BATCH,), 0, MAX_Y, dtype=jnp.int64 if jax.config.jax_enable_x64 else jnp.int32)
    xy_tensor = jnp.stack([x, y], axis=0)
    pe_x = _make_pe(MAX_X, DIMS)
    pe_y = _make_pe(MAX_Y, DIMS)
    return {"xy_tensor": xy_tensor, "pe_x": pe_x, "pe_y": pe_y}


def reference(xy_tensor, pe_x, pe_y):
    # forward: x = xy_tensor[0]; y = xy_tensor[1]; lookup positional encodings
    x = xy_tensor[0]
    y = xy_tensor[1]
    out_x = jnp.take(pe_x, x, axis=0)
    out_y = jnp.take(pe_y, y, axis=0)
    return (out_x, out_y)

if __name__ == "__main__":
    import jax
    _d = setup_inputs()
    print(jax.jit(kernel)(*tuple(_d.values())))

</pallas_src>

<mosaic_0001>
#map = affine_map<(d0, d1) -> (0, 0)>
module attributes {stable_mosaic.version = 14 : i64} {
  func.func @_pe_kernel(%arg0: i32, %arg1: i32, %arg2: memref<2x16384xi32, #tpu.memory_space<hbm>>, %arg3: memref<64x100000xf32, #tpu.memory_space<hbm>>, %arg4: memref<64x100000xf32, #tpu.memory_space<hbm>>, %arg5: memref<16400x128xf32, #tpu.memory_space<hbm>>, %arg6: memref<16400x128xf32, #tpu.memory_space<hbm>>, %arg7: memref<16384xi32, #tpu.memory_space<vmem>>, %arg8: memref<16400xi32, #tpu.memory_space<vmem>>, %arg9: memref<16400xi32, #tpu.memory_space<vmem>>, %arg10: memref<2x64x512xf32, #tpu.memory_space<vmem>>, %arg11: memref<16x128xf32, #tpu.memory_space<vmem>>, %arg12: memref<!tpu.dma_semaphore, #tpu.memory_space<semaphore_mem>>, %arg13: memref<!tpu.dma_semaphore, #tpu.memory_space<semaphore_mem>>) attributes {dimension_semantics = [#tpu.dimension_semantics<core_parallel>, #tpu.dimension_semantics<subcore_parallel>], iteration_bounds = array<i64: 2, 16>, scalar_prefetch = 0 : i64, scratch_operands = 7 : i64, tpu.core_type = #tpu.core_type<sc_vector_subcore>, window_params = [{transform_indices = #map}, {transform_indices = #map}, {transform_indices = #map}, {transform_indices = #map}, {transform_indices = #map}]} {
    %iota3A = tpu.iota {dimensions = array<i32: 0>} : vector<16xi32>
    "tpu.region"() ({
      %run_scoped3A = tpu.sem_alloc : memref<!tpu.dma_semaphore, #tpu.memory_space<semaphore_mem>>
      %dma_start3A = arith.constant 0 : i32
      %dma_start3A_56 = tpu.memref_slice %arg2[%arg0, %dma_start3A] : memref<2x16384xi32, #tpu.memory_space<hbm>> -> memref<1x16384xi32, #tpu.memory_space<hbm>>
      %dma_start3A_57 = tpu.memref_squeeze %dma_start3A_56 : memref<1x16384xi32, #tpu.memory_space<hbm>> -> memref<16384xi32, #tpu.memory_space<hbm>>
      %dma_start3A_58 = arith.constant 0 : i32
      %dma_start3A_59 = tpu.memref_slice %arg2[%arg0, %dma_start3A_58] : memref<2x16384xi32, #tpu.memory_space<hbm>> -> memref<1x16384xi32, #tpu.memory_space<hbm>>
      %dma_start3A_60 = tpu.memref_squeeze %dma_start3A_59 : memref<1x16384xi32, #tpu.memory_space<hbm>> -> memref<16384xi32, #tpu.memory_space<hbm>>
      tpu.enqueue_dma source(%dma_start3A_60 : memref<16384xi32, #tpu.memory_space<hbm>>) target(%arg7 : memref<16384xi32, #tpu.memory_space<vmem>>) target_semaphore(%run_scoped3A : memref<!tpu.dma_semaphore, #tpu.memory_space<semaphore_mem>>)
      %dma_wait3A = arith.constant 0 : i32
      %dma_wait3A_61 = tpu.memref_slice %arg2[%arg0, %dma_wait3A] : memref<2x16384xi32, #tpu.memory_space<hbm>> -> memref<1x16384xi32, #tpu.memory_space<hbm>>
      %dma_wait3A_62 = tpu.memref_squeeze %dma_wait3A_61 : memref<1x16384xi32, #tpu.memory_space<hbm>> -> memref<16384xi32, #tpu.memory_space<hbm>>
      %dma_wait3A_63 = arith.constant 0 : i32
      %dma_wait3A_64 = tpu.memref_slice %arg2[%arg0, %dma_wait3A_63] : memref<2x16384xi32, #tpu.memory_space<hbm>> -> memref<1x16384xi32, #tpu.memory_space<hbm>>
      %dma_wait3A_65 = tpu.memref_squeeze %dma_wait3A_64 : memref<1x16384xi32, #tpu.memory_space<hbm>> -> memref<16384xi32, #tpu.memory_space<hbm>>
      tpu.wait_dma2 semaphore(%run_scoped3A : memref<!tpu.dma_semaphore, #tpu.memory_space<semaphore_mem>>) src(%dma_wait3A_65 : memref<16384xi32, #tpu.memory_space<hbm>>) dst(%arg7 : memref<16384xi32, #tpu.memory_space<vmem>>)
      tpu.yield
    }) : () -> ()
    %mul3A = arith.constant 6272 : i32
    %mul3A_0 = arith.muli %arg1, %mul3A : i32
    %add3A = arith.constant 0 : i32
    %add3A_1 = arith.addi %mul3A_0, %add3A : i32
    %min3A = arith.constant 99584 : i32
    %min3A_2 = arith.minsi %add3A_1, %min3A : i32
    %multiple_of3A = tpu.assume_multiple %min3A_2, 128 : i32
    %eq3A = arith.constant 0 : i32
    %eq3A_3 = arith.cmpi eq, %arg0, %eq3A : i32
    %convert_element_type3A = arith.extui %eq3A_3 : i1 to i32
    %cond3A = arith.constant 0 : i32
    %cond3A_4 = arith.cmpi ne, %convert_element_type3A, %cond3A : i32
    scf.if %cond3A_4 {
      %dma_start3A = arith.constant 0 : i32
      %dma_start3A_56 = arith.constant 0 : i32
      %dma_start3A_57 = arith.constant 0 : i32
      %dma_start3A_58 = tpu.memref_slice %arg10[%dma_start3A, %dma_start3A_56, %dma_start3A_57] : memref<2x64x512xf32, #tpu.memory_space<vmem>> -> memref<1x64x512xf32, #tpu.memory_space<vmem>>
      %dma_start3A_59 = tpu.memref_squeeze %dma_start3A_58 : memref<1x64x512xf32, #tpu.memory_space<vmem>> -> memref<64x512xf32, #tpu.memory_space<vmem>>
      %dma_start3A_60 = arith.constant 0 : i32
      %dma_start3A_61 = tpu.memref_slice %arg3[%dma_start3A_60, %multiple_of3A] : memref<64x100000xf32, #tpu.memory_space<hbm>> -> memref<64x512xf32, #tpu.memory_space<hbm>>
      %dma_start3A_62 = arith.constant 0 : i32
      %dma_start3A_63 = arith.constant 0 : i32
      %dma_start3A_64 = tpu.memref_slice %arg10[%dma_start3A, %dma_start3A_62, %dma_start3A_63] : memref<2x64x512xf32, #tpu.memory_space<vmem>> -> memref<1x64x512xf32, #tpu.memory_space<vmem>>
      %dma_start3A_65 = tpu.memref_squeeze %dma_start3A_64 : memref<1x64x512xf32, #tpu.memory_space<vmem>> -> memref<64x512xf32, #tpu.memory_space<vmem>>
      %dma_start3A_66 = arith.constant 0 : i32
      %dma_start3A_67 = tpu.memref_slice %arg3[%dma_start3A_66, %multiple_of3A] : memref<64x100000xf32, #tpu.memory_space<hbm>> -> memref<64x512xf32, #tpu.memory_space<hbm>>
      tpu.enqueue_dma source(%dma_start3A_67 : memref<64x512xf32, #tpu.memory_space<hbm>>) target(%dma_start3A_65 : memref<64x512xf32, #tpu.memory_space<vmem>>) target_semaphore(%arg12 : memref<!tpu.dma_semaphore, #tpu.memory_space<semaphore_mem>>)
    } else {
    }
    %eq3A_5 = arith.constant 1 : i32
    %eq3A_6 = arith.cmpi eq, %arg0, %eq3A_5 : i32
    %convert_element_type3A_7 = arith.extui %eq3A_6 : i1 to i32
    %cond3A_8 = arith.constant 0 : i32
    %cond3A_9 = arith.cmpi ne, %convert_element_type3A_7, %cond3A_8 : i32
    scf.if %cond3A_9 {
      %dma_start3A = arith.constant 0 : i32
      %dma_start3A_56 = arith.constant 0 : i32
      %dma_start3A_57 = arith.constant 0 : i32
      %dma_start3A_58 = tpu.memref_slice %arg10[%dma_start3A, %dma_start3A_56, %dma_start3A_57] : memref<2x64x512xf32, #tpu.memory_space<vmem>> -> memref<1x64x512xf32, #tpu.memory_space<vmem>>
      %dma_start3A_59 = tpu.memref_squeeze %dma_start3A_58 : memref<1x64x512xf32, #tpu.memory_space<vmem>> -> memref<64x512xf32, #tpu.memory_space<vmem>>
      %dma_start3A_60 = arith.constant 0 : i32
      %dma_start3A_61 = tpu.memref_slice %arg4[%dma_start3A_60, %multiple_of3A] : memref<64x100000xf32, #tpu.memory_space<hbm>> -> memref<64x512xf32, #tpu.memory_space<hbm>>
      %dma_start3A_62 = arith.constant 0 : i32
      %dma_start3A_63 = arith.constant 0 : i32
      %dma_start3A_64 = tpu.memref_slice %arg10[%dma_start3A, %dma_start3A_62, %dma_start3A_63] : memref<2x64x512xf32, #tpu.memory_space<vmem>> -> memref<1x64x512xf32, #tpu.memory_space<vmem>>
      %dma_start3A_65 = tpu.memref_squeeze %dma_start3A_64 : memref<1x64x512xf32, #tpu.memory_space<vmem>> -> memref<64x512xf32, #tpu.memory_space<vmem>>
      %dma_start3A_66 = arith.constant 0 : i32
      %dma_start3A_67 = tpu.memref_slice %arg4[%dma_start3A_66, %multiple_of3A] : memref<64x100000xf32, #tpu.memory_space<hbm>> -> memref<64x512xf32, #tpu.memory_space<hbm>>
      tpu.enqueue_dma source(%dma_start3A_67 : memref<64x512xf32, #tpu.memory_space<hbm>>) target(%dma_start3A_65 : memref<64x512xf32, #tpu.memory_space<vmem>>) target_semaphore(%arg12 : memref<!tpu.dma_semaphore, #tpu.memory_space<semaphore_mem>>)
    } else {
    }
    %mul3A_10 = arith.constant 6272 : i32
    %mul3A_11 = arith.muli %arg1, %mul3A_10 : i32
    %add3A_12 = arith.constant 512 : i32
    %add3A_13 = arith.addi %mul3A_11, %add3A_12 : i32
    %min3A_14 = arith.constant 99584 : i32
    %min3A_15 = arith.minsi %add3A_13, %min3A_14 : i32
    %multiple_of3A_16 = tpu.assume_multiple %min3A_15, 128 : i32
    %eq3A_17 = arith.constant 0 : i32
    %eq3A_18 = arith.cmpi eq, %arg0, %eq3A_17 : i32
    %convert_element_type3A_19 = arith.extui %eq3A_18 : i1 to i32
    %cond3A_20 = arith.constant 0 : i32
    %cond3A_21 = arith.cmpi ne, %convert_element_type3A_19, %cond3A_20 : i32
    scf.if %cond3A_21 {
      %dma_start3A = arith.constant 1 : i32
      %dma_start3A_56 = arith.constant 0 : i32
      %dma_start3A_57 = arith.constant 0 : i32
      %dma_start3A_58 = tpu.memref_slice %arg10[%dma_start3A, %dma_start3A_56, %dma_start3A_57] : memref<2x64x512xf32, #tpu.memory_space<vmem>> -> memref<1x64x512xf32, #tpu.memory_space<vmem>>
      %dma_start3A_59 = tpu.memref_squeeze %dma_start3A_58 : memref<1x64x512xf32, #tpu.memory_space<vmem>> -> memref<64x512xf32, #tpu.memory_space<vmem>>
      %dma_start3A_60 = arith.constant 0 : i32
      %dma_start3A_61 = tpu.memref_slice %arg3[%dma_start3A_60, %multiple_of3A_16] : memref<64x100000xf32, #tpu.memory_space<hbm>> -> memref<64x512xf32, #tpu.memory_space<hbm>>
      %dma_start3A_62 = arith.constant 0 : i32
      %dma_start3A_63 = arith.constant 0 : i32
      %dma_start3A_64 = tpu.memref_slice %arg10[%dma_start3A, %dma_start3A_62, %dma_start3A_63] : memref<2x64x512xf32, #tpu.memory_space<vmem>> -> memref<1x64x512xf32, #tpu.memory_space<vmem>>
      %dma_start3A_65 = tpu.memref_squeeze %dma_start3A_64 : memref<1x64x512xf32, #tpu.memory_space<vmem>> -> memref<64x512xf32, #tpu.memory_space<vmem>>
      %dma_start3A_66 = arith.constant 0 : i32
      %dma_start3A_67 = tpu.memref_slice %arg3[%dma_start3A_66, %multiple_of3A_16] : memref<64x100000xf32, #tpu.memory_space<hbm>> -> memref<64x512xf32, #tpu.memory_space<hbm>>
      tpu.enqueue_dma source(%dma_start3A_67 : memref<64x512xf32, #tpu.memory_space<hbm>>) target(%dma_start3A_65 : memref<64x512xf32, #tpu.memory_space<vmem>>) target_semaphore(%arg13 : memref<!tpu.dma_semaphore, #tpu.memory_space<semaphore_mem>>)
    } else {
    }
    %eq3A_22 = arith.constant 1 : i32
    %eq3A_23 = arith.cmpi eq, %arg0, %eq3A_22 : i32
    %convert_element_type3A_24 = arith.extui %eq3A_23 : i1 to i32
    %cond3A_25 = arith.constant 0 : i32
    %cond3A_26 = arith.cmpi ne, %convert_element_type3A_24, %cond3A_25 : i32
    scf.if %cond3A_26 {
      %dma_start3A = arith.constant 1 : i32
      %dma_start3A_56 = arith.constant 0 : i32
      %dma_start3A_57 = arith.constant 0 : i32
      %dma_start3A_58 = tpu.memref_slice %arg10[%dma_start3A, %dma_start3A_56, %dma_start3A_57] : memref<2x64x512xf32, #tpu.memory_space<vmem>> -> memref<1x64x512xf32, #tpu.memory_space<vmem>>
      %dma_start3A_59 = tpu.memref_squeeze %dma_start3A_58 : memref<1x64x512xf32, #tpu.memory_space<vmem>> -> memref<64x512xf32, #tpu.memory_space<vmem>>
      %dma_start3A_60 = arith.constant 0 : i32
      %dma_start3A_61 = tpu.memref_slice %arg4[%dma_start3A_60, %multiple_of3A_16] : memref<64x100000xf32, #tpu.memory_space<hbm>> -> memref<64x512xf32, #tpu.memory_space<hbm>>
      %dma_start3A_62 = arith.constant 0 : i32
      %dma_start3A_63 = arith.constant 0 : i32
      %dma_start3A_64 = tpu.memref_slice %arg10[%dma_start3A, %dma_start3A_62, %dma_start3A_63] : memref<2x64x512xf32, #tpu.memory_space<vmem>> -> memref<1x64x512xf32, #tpu.memory_space<vmem>>
      %dma_start3A_65 = tpu.memref_squeeze %dma_start3A_64 : memref<1x64x512xf32, #tpu.memory_space<vmem>> -> memref<64x512xf32, #tpu.memory_space<vmem>>
      %dma_start3A_66 = arith.constant 0 : i32
      %dma_start3A_67 = tpu.memref_slice %arg4[%dma_start3A_66, %multiple_of3A_16] : memref<64x100000xf32, #tpu.memory_space<hbm>> -> memref<64x512xf32, #tpu.memory_space<hbm>>
      tpu.enqueue_dma source(%dma_start3A_67 : memref<64x512xf32, #tpu.memory_space<hbm>>) target(%dma_start3A_65 : memref<64x512xf32, #tpu.memory_space<vmem>>) target_semaphore(%arg13 : memref<!tpu.dma_semaphore, #tpu.memory_space<semaphore_mem>>)
    } else {
    }
    %parallel_loop3A = arith.constant 0 : i32
    %parallel_loop3A_27 = arith.constant 1024 : i32
    %parallel_loop3A_28 = arith.constant 1 : i32
    %parallel_loop3A_29 = arith.constant 0 : i32
    %parallel_loop3A_30 = scf.for %parallel_loop3A_56 = %parallel_loop3A to %parallel_loop3A_27 step %parallel_loop3A_28 iter_args(%parallel_loop3A_57 = %parallel_loop3A_29) -> (i32)  : i32 {
      %parallel_loop3A_58 = arith.constant 16 : i32
      %parallel_loop3A_59 = arith.muli %parallel_loop3A_56, %parallel_loop3A_58 : i32
      %parallel_loop3A_60 = arith.index_cast %parallel_loop3A_59 : i32 to index
      %parallel_loop3A_61 = tpu.vector_load %arg7[%parallel_loop3A_60] {strides = array<i32>} : memref<16384xi32, #tpu.memory_space<vmem>>, vector<16xi32>,
      %parallel_loop3A_62 = arith.constant 7 : i32
      %parallel_loop3A_63 = vector.broadcast %parallel_loop3A_62 : i32 to vector<16xi32>
      %parallel_loop3A_64 = arith.shrsi %parallel_loop3A_61, %parallel_loop3A_63 : vector<16xi32>
      %parallel_loop3A_65 = arith.constant 2675 : i32
      %parallel_loop3A_66 = vector.broadcast %parallel_loop3A_65 : i32 to vector<16xi32>
      %parallel_loop3A_67 = arith.muli %parallel_loop3A_64, %parallel_loop3A_66 : vector<16xi32>
      %parallel_loop3A_68 = arith.constant 17 : i32
      %parallel_loop3A_69 = vector.broadcast %parallel_loop3A_68 : i32 to vector<16xi32>
      %parallel_loop3A_70 = arith.shrsi %parallel_loop3A_67, %parallel_loop3A_69 : vector<16xi32>
      %parallel_loop3A_71 = vector.broadcast %arg1 : i32 to vector<16xi32>
      %parallel_loop3A_72 = arith.cmpi eq, %parallel_loop3A_70, %parallel_loop3A_71 : vector<16xi32>
      %parallel_loop3A_73 = arith.constant 14 : i32
      %parallel_loop3A_74 = vector.broadcast %parallel_loop3A_73 : i32 to vector<16xi32>
      %parallel_loop3A_75 = arith.shli %parallel_loop3A_61, %parallel_loop3A_74 : vector<16xi32>
      %parallel_loop3A_76 = arith.constant 16 : i32
      %parallel_loop3A_77 = arith.muli %parallel_loop3A_56, %parallel_loop3A_76 : i32
      %parallel_loop3A_78 = vector.broadcast %parallel_loop3A_77 : i32 to vector<16xi32>
      %parallel_loop3A_79 = arith.addi %parallel_loop3A_78, %iota3A : vector<16xi32>
      %parallel_loop3A_80 = arith.ori %parallel_loop3A_75, %parallel_loop3A_79 : vector<16xi32>
      %parallel_loop3A_81 = arith.index_cast %parallel_loop3A_57 : i32 to index
      %parallel_loop3A_82 = tpu.vector_load %arg8[%parallel_loop3A_81] masked %parallel_loop3A_72 {strides = array<i32>} : memref<16400xi32, #tpu.memory_space<vmem>>, vector<16xi32>, vector<16xi1>
      tpu.vector_store %arg8[%parallel_loop3A_81], %parallel_loop3A_80 masked %parallel_loop3A_72 {strides = array<i32>} : memref<16400xi32, #tpu.memory_space<vmem>>, vector<16xi32>, vector<16xi1>
      %parallel_loop3A_83 = tpu.all_reduce %parallel_loop3A_72 {dim = 0 : i64, kind = #tpu.reduction_kind<sum>} : vector<16xi1> -> vector<16xi32>
      %parallel_loop3A_84 = vector.extract_strided_slice %parallel_loop3A_83 {offsets = [0], sizes = [1], strides = [1]} : vector<16xi32> to vector<1xi32>
      %parallel_loop3A_85 = vector.extract %parallel_loop3A_84[0] : i32 from vector<1xi32>
      %parallel_loop3A_86 = arith.addi %parallel_loop3A_57, %parallel_loop3A_85 : i32
      scf.yield %parallel_loop3A_86 : i32
    } {sc.loop_unroll_factor = 4 : i64, sc.parallel_access}
    %add3A_31 = arith.constant 16 : i32
    %add3A_32 = arith.addi %parallel_loop3A_30, %add3A_31 : i32
    %sub3A = arith.constant 1 : i32
    %sub3A_33 = arith.subi %add3A_32, %sub3A : i32
    %jit3A = arith.constant 16 : i32
    %div3A = arith.divsi %sub3A_33, %jit3A : i32
    %sign3A = arith.constant 0 : i32
    %sign3A_34 = arith.cmpi sgt, %sub3A_33, %sign3A : i32
    %sign3A_35 = arith.extui %sign3A_34 : i1 to i32
    %sign3A_36 = arith.constant 0 : i32
    %sign3A_37 = arith.cmpi slt, %sub3A_33, %sign3A_36 : i32
    %sign3A_38 = arith.extui %sign3A_37 : i1 to i32
    %sign3A_39 = arith.subi %sign3A_35, %sign3A_38 : i32
    %sign3A_40 = arith.constant 0 : i32
    %sign3A_41 = arith.cmpi sgt, %jit3A, %sign3A_40 : i32
    %sign3A_42 = arith.extui %sign3A_41 : i1 to i32
    %sign3A_43 = arith.constant 0 : i32
    %sign3A_44 = arith.cmpi slt, %jit3A, %sign3A_43 : i32
    %sign3A_45 = arith.extui %sign3A_44 : i1 to i32
    %sign3A_46 = arith.subi %sign3A_42, %sign3A_45 : i32
    %ne3A = arith.cmpi ne, %sign3A_39, %sign3A_46 : i32
    %rem3A = arith.remsi %sub3A_33, %jit3A : i32
    %ne3A_47 = arith.constant 0 : i32
    %ne3A_48 = arith.cmpi ne, %rem3A, %ne3A_47 : i32
    %and3A = arith.andi %ne3A, %ne3A_48 : i1
    %sub3A_49 = arith.constant 1 : i32
    %sub3A_50 = arith.subi %div3A, %sub3A_49 : i32
    %select_n3A = arith.select %and3A, %sub3A_50, %div3A : i32
    %scan3A = arith.constant 0 : i32
    %scan3A_51 = arith.constant 0 : i32
    %scan3A_52 = arith.constant 7 : i32
    %scan3A_53 = arith.addi %scan3A_51, %scan3A_52 : i32
    %scan3A_54 = arith.constant 1 : i32
    scf.for %scan3A_56 = %scan3A_51 to %scan3A_53 step %scan3A_54  : i32 {
      %mul3A_57 = arith.constant 2 : i32
      %mul3A_58 = arith.muli %scan3A_56, %mul3A_57 : i32
      %add3A_59 = arith.constant 0 : i32
      %add3A_60 = arith.addi %mul3A_58, %add3A_59 : i32
      %mul3A_61 = arith.constant 6272 : i32
      %mul3A_62 = arith.muli %arg1, %mul3A_61 : i32
      %mul3A_63 = arith.constant 512 : i32
      %mul3A_64 = arith.muli %add3A_60, %mul3A_63 : i32
      %add3A_65 = arith.addi %mul3A_62, %mul3A_64 : i32
      %min3A_66 = arith.constant 99584 : i32
      %min3A_67 = arith.minsi %add3A_65, %min3A_66 : i32
      %multiple_of3A_68 = tpu.assume_multiple %min3A_67, 128 : i32
      %dma_wait3A = arith.constant 0 : i32
      %dma_wait3A_69 = arith.constant 0 : i32
      %dma_wait3A_70 = arith.constant 0 : i32
      %dma_wait3A_71 = tpu.memref_slice %arg10[%dma_wait3A, %dma_wait3A_69, %dma_wait3A_70] : memref<2x64x512xf32, #tpu.memory_space<vmem>> -> memref<1x64x512xf32, #tpu.memory_space<vmem>>
      %dma_wait3A_72 = tpu.memref_squeeze %dma_wait3A_71 : memref<1x64x512xf32, #tpu.memory_space<vmem>> -> memref<64x512xf32, #tpu.memory_space<vmem>>
      %dma_wait3A_73 = arith.constant 0 : i32
      %dma_wait3A_74 = arith.constant 0 : i32
      %dma_wait3A_75 = tpu.memref_slice %arg3[%dma_wait3A_73, %dma_wait3A_74] : memref<64x100000xf32, #tpu.memory_space<hbm>> -> memref<64x512xf32, #tpu.memory_space<hbm>>
      %dma_wait3A_76 = arith.constant 0 : i32
      %dma_wait3A_77 = arith.constant 0 : i32
      %dma_wait3A_78 = tpu.memref_slice %arg10[%dma_wait3A, %dma_wait3A_76, %dma_wait3A_77] : memref<2x64x512xf32, #tpu.memory_space<vmem>> -> memref<1x64x512xf32, #tpu.memory_space<vmem>>
      %dma_wait3A_79 = tpu.memref_squeeze %dma_wait3A_78 : memref<1x64x512xf32, #tpu.memory_space<vmem>> -> memref<64x512xf32, #tpu.memory_space<vmem>>
      %dma_wait3A_80 = arith.constant 0 : i32
      %dma_wait3A_81 = arith.constant 0 : i32
      %dma_wait3A_82 = tpu.memref_slice %arg3[%dma_wait3A_80, %dma_wait3A_81] : memref<64x100000xf32, #tpu.memory_space<hbm>> -> memref<64x512xf32, #tpu.memory_space<hbm>>
      tpu.wait_dma2 semaphore(%arg12 : memref<!tpu.dma_semaphore, #tpu.memory_space<semaphore_mem>>) src(%dma_wait3A_82 : memref<64x512xf32, #tpu.memory_space<hbm>>) dst(%dma_wait3A_79 : memref<64x512xf32, #tpu.memory_space<vmem>>)
      %while3A = arith.constant 0 : i32
      %while3A_83 = arith.constant 0 : i32
      %while3A_84 = arith.subi %select_n3A, %while3A : i32
      %while3A_85 = arith.addi %while3A, %while3A_84 : i32
      %while3A_86 = arith.constant 1 : i32
      %while3A_87 = arith.divsi %while3A_84, %while3A_86 : i32
      %while3A_88 = arith.muli %while3A_87, %while3A_86 : i32
      %while3A_89 = arith.addi %while3A, %while3A_88 : i32
      %while3A_90 = arith.constant 1 : i32
      %while3A_91 = scf.for %while3A_162 = %while3A to %while3A_89 step %while3A_90 iter_args(%while3A_163 = %while3A_83) -> (i32)  : i32 {
        %mul3A_164 = arith.constant 16 : i32
        %mul3A_165 = arith.muli %while3A_162, %mul3A_164 : i32
        %get3A = arith.index_cast %mul3A_165 : i32 to index
        %get3A_166 = tpu.vector_load %arg8[%get3A] {strides = array<i32>} : memref<16400xi32, #tpu.memory_space<vmem>>, vector<16xi32>,
        %shift_right_arithmetic3A = arith.constant 14 : i32
        %shift_right_arithmetic3A_167 = vector.broadcast %shift_right_arithmetic3A : i32 to vector<16xi32>
        %shift_right_arithmetic3A_168 = arith.shrsi %get3A_166, %shift_right_arithmetic3A_167 : vector<16xi32>
        %mul3A_169 = arith.constant 16 : i32
        %mul3A_170 = arith.muli %while3A_162, %mul3A_169 : i32
        %add3A_171 = vector.broadcast %mul3A_170 : i32 to vector<16xi32>
        %add3A_172 = arith.addi %add3A_171, %iota3A : vector<16xi32>
        %lt3A_173 = vector.broadcast %parallel_loop3A_30 : i32 to vector<16xi32>
        %lt3A_174 = arith.cmpi slt, %add3A_172, %lt3A_173 : vector<16xi32>
        %mul3A_175 = arith.constant 6272 : i32
        %mul3A_176 = arith.muli %arg1, %mul3A_175 : i32
        %sub3A_177 = vector.broadcast %mul3A_176 : i32 to vector<16xi32>
        %sub3A_178 = arith.subi %shift_right_arithmetic3A_168, %sub3A_177 : vector<16xi32>
        %shift_right_arithmetic3A_179 = arith.constant 9 : i32
        %shift_right_arithmetic3A_180 = vector.broadcast %shift_right_arithmetic3A_179 : i32 to vector<16xi32>
        %shift_right_arithmetic3A_181 = arith.shrsi %sub3A_178, %shift_right_arithmetic3A_180 : vector<16xi32>
        %eq3A_182 = vector.broadcast %add3A_60 : i32 to vector<16xi32>
        %eq3A_183 = arith.cmpi eq, %shift_right_arithmetic3A_181, %eq3A_182 : vector<16xi32>
        %and3A_184 = arith.andi %lt3A_174, %eq3A_183 : vector<16xi1>
        %sub3A_185 = vector.broadcast %multiple_of3A_68 : i32 to vector<16xi32>
        %sub3A_186 = arith.subi %shift_right_arithmetic3A_168, %sub3A_185 : vector<16xi32>
        %shift_left3A = arith.constant 14 : i32
        %shift_left3A_187 = vector.broadcast %shift_left3A : i32 to vector<16xi32>
        %shift_left3A_188 = arith.shli %sub3A_186, %shift_left3A_187 : vector<16xi32>
        %and3A_189 = arith.constant 16383 : i32
        %and3A_190 = vector.broadcast %and3A_189 : i32 to vector<16xi32>
        %and3A_191 = arith.andi %get3A_166, %and3A_190 : vector<16xi32>
        %or3A = arith.ori %shift_left3A_188, %and3A_191 : vector<16xi32>
        %swap3A = arith.index_cast %while3A_163 : i32 to index
        %swap3A_192 = tpu.vector_load %arg9[%swap3A] masked %and3A_184 {strides = array<i32>} : memref<16400xi32, #tpu.memory_space<vmem>>, vector<16xi32>, vector<16xi1>
        tpu.vector_store %arg9[%swap3A], %or3A masked %and3A_184 {strides = array<i32>} : memref<16400xi32, #tpu.memory_space<vmem>>, vector<16xi32>, vector<16xi1>
        %all_reduce_population_count3A = tpu.all_reduce %and3A_184 {dim = 0 : i64, kind = #tpu.reduction_kind<sum>} : vector<16xi1> -> vector<16xi32>
        %slice3A = vector.extract_strided_slice %all_reduce_population_count3A {offsets = [0], sizes = [1], strides = [1]} : vector<16xi32> to vector<1xi32>
        %squeeze3A = vector.extract %slice3A[0] : i32 from vector<1xi32>
        %add3A_193 = arith.addi %while3A_163, %squeeze3A : i32
        scf.yield %add3A_193 : i32
      }
      %while3A_92 = arith.constant 1 : i32
      %while3A_93 = scf.for %while3A_162 = %while3A_89 to %while3A_85 step %while3A_92 iter_args(%while3A_163 = %while3A_91) -> (i32)  : i32 {
        %mul3A_164 = arith.constant 16 : i32
        %mul3A_165 = arith.muli %while3A_162, %mul3A_164 : i32
        %get3A = arith.index_cast %mul3A_165 : i32 to index
        %get3A_166 = tpu.vector_load %arg8[%get3A] {strides = array<i32>} : memref<16400xi32, #tpu.memory_space<vmem>>, vector<16xi32>,
        %shift_right_arithmetic3A = arith.constant 14 : i32
        %shift_right_arithmetic3A_167 = vector.broadcast %shift_right_arithmetic3A : i32 to vector<16xi32>
        %shift_right_arithmetic3A_168 = arith.shrsi %get3A_166, %shift_right_arithmetic3A_167 : vector<16xi32>
        %mul3A_169 = arith.constant 16 : i32
        %mul3A_170 = arith.muli %while3A_162, %mul3A_169 : i32
        %add3A_171 = vector.broadcast %mul3A_170 : i32 to vector<16xi32>
        %add3A_172 = arith.addi %add3A_171, %iota3A : vector<16xi32>
        %lt3A_173 = vector.broadcast %parallel_loop3A_30 : i32 to vector<16xi32>
        %lt3A_174 = arith.cmpi slt, %add3A_172, %lt3A_173 : vector<16xi32>
        %mul3A_175 = arith.constant 6272 : i32
        %mul3A_176 = arith.muli %arg1, %mul3A_175 : i32
        %sub3A_177 = vector.broadcast %mul3A_176 : i32 to vector<16xi32>
        %sub3A_178 = arith.subi %shift_right_arithmetic3A_168, %sub3A_177 : vector<16xi32>
        %shift_right_arithmetic3A_179 = arith.constant 9 : i32
        %shift_right_arithmetic3A_180 = vector.broadcast %shift_right_arithmetic3A_179 : i32 to vector<16xi32>
        %shift_right_arithmetic3A_181 = arith.shrsi %sub3A_178, %shift_right_arithmetic3A_180 : vector<16xi32>
        %eq3A_182 = vector.broadcast %add3A_60 : i32 to vector<16xi32>
        %eq3A_183 = arith.cmpi eq, %shift_right_arithmetic3A_181, %eq3A_182 : vector<16xi32>
        %and3A_184 = arith.andi %lt3A_174, %eq3A_183 : vector<16xi1>
        %sub3A_185 = vector.broadcast %multiple_of3A_68 : i32 to vector<16xi32>
        %sub3A_186 = arith.subi %shift_right_arithmetic3A_168, %sub3A_185 : vector<16xi32>
        %shift_left3A = arith.constant 14 : i32
        %shift_left3A_187 = vector.broadcast %shift_left3A : i32 to vector<16xi32>
        %shift_left3A_188 = arith.shli %sub3A_186, %shift_left3A_187 : vector<16xi32>
        %and3A_189 = arith.constant 16383 : i32
        %and3A_190 = vector.broadcast %and3A_189 : i32 to vector<16xi32>
        %and3A_191 = arith.andi %get3A_166, %and3A_190 : vector<16xi32>
        %or3A = arith.ori %shift_left3A_188, %and3A_191 : vector<16xi32>
        %swap3A = arith.index_cast %while3A_163 : i32 to index
        %swap3A_192 = tpu.vector_load %arg9[%swap3A] masked %and3A_184 {strides = array<i32>} : memref<16400xi32, #tpu.memory_space<vmem>>, vector<16xi32>, vector<16xi1>
        tpu.vector_store %arg9[%swap3A], %or3A masked %and3A_184 {strides = array<i32>} : memref<16400xi32, #tpu.memory_space<vmem>>, vector<16xi32>, vector<16xi1>
        %all_reduce_population_count3A = tpu.all_reduce %and3A_184 {dim = 0 : i64, kind = #tpu.reduction_kind<sum>} : vector<16xi1> -> vector<16xi32>
        %slice3A = vector.extract_strided_slice %all_reduce_population_count3A {offsets = [0], sizes = [1], strides = [1]} : vector<16xi32> to vector<1xi32>
        %squeeze3A = vector.extract %slice3A[0] : i32 from vector<1xi32>
        %add3A_193 = arith.addi %while3A_163, %squeeze3A : i32
        scf.yield %add3A_193 : i32
      }
      %eq3A_94 = arith.constant 0 : i32
      %eq3A_95 = arith.cmpi eq, %arg0, %eq3A_94 : i32
      %convert_element_type3A_96 = arith.extui %eq3A_95 : i1 to i32
      %cond3A_97 = arith.constant 0 : i32
      %cond3A_98 = arith.cmpi ne, %convert_element_type3A_96, %cond3A_97 : i32
      scf.if %cond3A_98 {
        %add3A_162 = arith.constant 16 : i32
        %add3A_163 = arith.addi %while3A_93, %add3A_162 : i32
        %sub3A_164 = arith.constant 1 : i32
        %sub3A_165 = arith.subi %add3A_163, %sub3A_164 : i32
        %jit3A_166 = arith.constant 16 : i32
        %div3A_167 = arith.divsi %sub3A_165, %jit3A_166 : i32
        %sign3A_168 = arith.constant 0 : i32
        %sign3A_169 = arith.cmpi sgt, %sub3A_165, %sign3A_168 : i32
        %sign3A_170 = arith.extui %sign3A_169 : i1 to i32
        %sign3A_171 = arith.constant 0 : i32
        %sign3A_172 = arith.cmpi slt, %sub3A_165, %sign3A_171 : i32
        %sign3A_173 = arith.extui %sign3A_172 : i1 to i32
        %sign3A_174 = arith.subi %sign3A_170, %sign3A_173 : i32
        %sign3A_175 = arith.constant 0 : i32
        %sign3A_176 = arith.cmpi sgt, %jit3A_166, %sign3A_175 : i32
        %sign3A_177 = arith.extui %sign3A_176 : i1 to i32
        %sign3A_178 = arith.constant 0 : i32
        %sign3A_179 = arith.cmpi slt, %jit3A_166, %sign3A_178 : i32
        %sign3A_180 = arith.extui %sign3A_179 : i1 to i32
        %sign3A_181 = arith.subi %sign3A_177, %sign3A_180 : i32
        %ne3A_182 = arith.cmpi ne, %sign3A_174, %sign3A_181 : i32
        %rem3A_183 = arith.remsi %sub3A_165, %jit3A_166 : i32
        %ne3A_184 = arith.constant 0 : i32
        %ne3A_185 = arith.cmpi ne, %rem3A_183, %ne3A_184 : i32
        %and3A_186 = arith.andi %ne3A_182, %ne3A_185 : i1
        %sub3A_187 = arith.constant 1 : i32
        %sub3A_188 = arith.subi %div3A_167, %sub3A_187 : i32
        %select_n3A_189 = arith.select %and3A_186, %sub3A_188, %div3A_167 : i32
        %while3A_190 = arith.constant 0 : i32
        %while3A_191 = arith.constant 0 : i32
        %while3A_192 = arith.subi %select_n3A_189, %while3A_191 : i32
        %while3A_193 = arith.addi %while3A_191, %while3A_192 : i32
        %while3A_194 = arith.constant 1 : i32
        %while3A_195 = arith.divsi %while3A_192, %while3A_194 : i32
        %while3A_196 = arith.muli %while3A_195, %while3A_194 : i32
        %while3A_197 = arith.addi %while3A_191, %while3A_196 : i32
        %while3A_198 = arith.constant 1 : i32
        scf.for %while3A_200 = %while3A_191 to %while3A_197 step %while3A_198  : i32 {
          %mul3A_201 = arith.constant 16 : i32
          %mul3A_202 = arith.muli %while3A_200, %mul3A_201 : i32
          %get3A = arith.index_cast %mul3A_202 : i32 to index
          %get3A_203 = tpu.vector_load %arg9[%get3A] {strides = array<i32>} : memref<16400xi32, #tpu.memory_space<vmem>>, vector<16xi32>,
          %mul3A_204 = arith.constant 16 : i32
          %mul3A_205 = arith.muli %while3A_200, %mul3A_204 : i32
          %add3A_206 = vector.broadcast %mul3A_205 : i32 to vector<16xi32>
          %add3A_207 = arith.addi %add3A_206, %iota3A : vector<16xi32>
          %lt3A_208 = vector.broadcast %while3A_93 : i32 to vector<16xi32>
          %lt3A_209 = arith.cmpi slt, %add3A_207, %lt3A_208 : vector<16xi32>
          %shift_right_arithmetic3A = arith.constant 14 : i32
          %shift_right_arithmetic3A_210 = vector.broadcast %shift_right_arithmetic3A : i32 to vector<16xi32>
          %shift_right_arithmetic3A_211 = arith.shrsi %get3A_203, %shift_right_arithmetic3A_210 : vector<16xi32>
          %jit3A_212 = arith.constant 0 : i32
          %broadcast_in_dim3A = vector.broadcast %jit3A_212 : i32 to vector<16xi32>
          %select_n3A_213 = arith.select %lt3A_209, %shift_right_arithmetic3A_211, %broadcast_in_dim3A : vector<16xi1>, vector<16xi32>
          %and3A_214 = arith.constant 16383 : i32
          %and3A_215 = vector.broadcast %and3A_214 : i32 to vector<16xi32>
          %and3A_216 = arith.andi %get3A_203, %and3A_215 : vector<16xi32>
          %jit3A_217 = arith.constant 16384 : i32
          %broadcast_in_dim3A_218 = vector.broadcast %jit3A_217 : i32 to vector<16xi32>
          %select_n3A_219 = arith.select %lt3A_209, %and3A_216, %broadcast_in_dim3A_218 : vector<16xi1>, vector<16xi32>
          %parallel_loop3A_220 = arith.constant 0 : i32
          %parallel_loop3A_221 = arith.constant 64 : i32
          %parallel_loop3A_222 = arith.constant 1 : i32
          %parallel_loop3A_223 = arith.constant 0 : i32
          scf.for %parallel_loop3A_224 = %parallel_loop3A_220 to %parallel_loop3A_221 step %parallel_loop3A_222  : i32 {
            %parallel_loop3A_225 = arith.constant 1 : i32
            %parallel_loop3A_226 = vector.broadcast %parallel_loop3A_225 : i32 to vector<16xi32>
            %parallel_loop3A_227 = vector.broadcast %parallel_loop3A_224 : i32 to vector<16xi32>
            %parallel_loop3A_228 = arith.muli %parallel_loop3A_226, %parallel_loop3A_227 : vector<16xi32>
            %parallel_loop3A_229 = arith.constant 0 : i32
            %parallel_loop3A_230 = arith.constant 0 : i32
            %parallel_loop3A_231 = tpu.memref_slice %arg10[%parallel_loop3A_223, %parallel_loop3A_229, %parallel_loop3A_230] : memref<2x64x512xf32, #tpu.memory_space<vmem>> -> memref<1x64x512xf32, #tpu.memory_space<vmem>>
            %parallel_loop3A_232 = tpu.memref_squeeze %parallel_loop3A_231 : memref<1x64x512xf32, #tpu.memory_space<vmem>> -> memref<64x512xf32, #tpu.memory_space<vmem>>
            %parallel_loop3A_233 = tpu.vector_load_idx %parallel_loop3A_232[%parallel_loop3A_228, %select_n3A_213] : memref<64x512xf32, #tpu.memory_space<vmem>>[vector<16xi32>, vector<16xi32>], vector<16xf32>,
            tpu.vector_store_idx %arg11[%iota3A, %parallel_loop3A_228], %parallel_loop3A_233 : memref<16x128xf32, #tpu.memory_space<vmem>>[vector<16xi32>, vector<16xi32>], vector<16xf32>,
          } {sc.loop_unroll_factor = 8 : i64, sc.parallel_access}
          "tpu.region"() ({
            %run_scoped3A = tpu.sem_alloc : memref<!tpu.dma_semaphore, #tpu.memory_space<semaphore_mem>>
            %dma_start3A = arith.constant 0 : i32
            %dma_start3A_224 = arith.constant 0 : i32
            %dma_start3A_225 = tpu.memref_slice %arg5[%dma_start3A, %dma_start3A_224] : memref<16400x128xf32, #tpu.memory_space<hbm>> -> memref<16400x128xf32, #tpu.memory_space<hbm>>
            tpu.enqueue_indirect_dma source(%arg11 : memref<16x128xf32, #tpu.memory_space<vmem>>) target(%dma_start3A_225 : memref<16400x128xf32, #tpu.memory_space<hbm>>) offsets(%select_n3A_219 : vector<16xi32>) semaphore(%run_scoped3A : memref<!tpu.dma_semaphore, #tpu.memory_space<semaphore_mem>>)
            %dma_wait3A_226 = arith.constant 0 : i32
            %dma_wait3A_227 = arith.constant 0 : i32
            %dma_wait3A_228 = tpu.memref_slice %arg5[%dma_wait3A_226, %dma_wait3A_227] : memref<16400x128xf32, #tpu.memory_space<hbm>> -> memref<16400x128xf32, #tpu.memory_space<hbm>>
            tpu.wait_indirect_dma semaphore(%run_scoped3A : memref<!tpu.dma_semaphore, #tpu.memory_space<semaphore_mem>>) src(%arg11 : memref<16x128xf32, #tpu.memory_space<vmem>>) dst(%dma_wait3A_228 : memref<16400x128xf32, #tpu.memory_space<hbm>>)
            tpu.yield
          }) : () -> ()
        }
        %while3A_199 = arith.constant 1 : i32
        scf.for %while3A_200 = %while3A_197 to %while3A_193 step %while3A_199  : i32 {
          %mul3A_201 = arith.constant 16 : i32
          %mul3A_202 = arith.muli %while3A_200, %mul3A_201 : i32
          %get3A = arith.index_cast %mul3A_202 : i32 to index
          %get3A_203 = tpu.vector_load %arg9[%get3A] {strides = array<i32>} : memref<16400xi32, #tpu.memory_space<vmem>>, vector<16xi32>,
          %mul3A_204 = arith.constant 16 : i32
          %mul3A_205 = arith.muli %while3A_200, %mul3A_204 : i32
          %add3A_206 = vector.broadcast %mul3A_205 : i32 to vector<16xi32>
          %add3A_207 = arith.addi %add3A_206, %iota3A : vector<16xi32>
          %lt3A_208 = vector.broadcast %while3A_93 : i32 to vector<16xi32>
          %lt3A_209 = arith.cmpi slt, %add3A_207, %lt3A_208 : vector<16xi32>
          %shift_right_arithmetic3A = arith.constant 14 : i32
          %shift_right_arithmetic3A_210 = vector.broadcast %shift_right_arithmetic3A : i32 to vector<16xi32>
          %shift_right_arithmetic3A_211 = arith.shrsi %get3A_203, %shift_right_arithmetic3A_210 : vector<16xi32>
          %jit3A_212 = arith.constant 0 : i32
          %broadcast_in_dim3A = vector.broadcast %jit3A_212 : i32 to vector<16xi32>
          %select_n3A_213 = arith.select %lt3A_209, %shift_right_arithmetic3A_211, %broadcast_in_dim3A : vector<16xi1>, vector<16xi32>
          %and3A_214 = arith.constant 16383 : i32
          %and3A_215 = vector.broadcast %and3A_214 : i32 to vector<16xi32>
          %and3A_216 = arith.andi %get3A_203, %and3A_215 : vector<16xi32>
          %jit3A_217 = arith.constant 16384 : i32
          %broadcast_in_dim3A_218 = vector.broadcast %jit3A_217 : i32 to vector<16xi32>
          %select_n3A_219 = arith.select %lt3A_209, %and3A_216, %broadcast_in_dim3A_218 : vector<16xi1>, vector<16xi32>
          %parallel_loop3A_220 = arith.constant 0 : i32
          %parallel_loop3A_221 = arith.constant 64 : i32
          %parallel_loop3A_222 = arith.constant 1 : i32
          %parallel_loop3A_223 = arith.constant 0 : i32
          scf.for %parallel_loop3A_224 = %parallel_loop3A_220 to %parallel_loop3A_221 step %parallel_loop3A_222  : i32 {
            %parallel_loop3A_225 = arith.constant 1 : i32
            %parallel_loop3A_226 = vector.broadcast %parallel_loop3A_225 : i32 to vector<16xi32>
            %parallel_loop3A_227 = vector.broadcast %parallel_loop3A_224 : i32 to vector<16xi32>
            %parallel_loop3A_228 = arith.muli %parallel_loop3A_226, %parallel_loop3A_227 : vector<16xi32>
            %parallel_loop3A_229 = arith.constant 0 : i32
            %parallel_loop3A_230 = arith.constant 0 : i32
            %parallel_loop3A_231 = tpu.memref_slice %arg10[%parallel_loop3A_223, %parallel_loop3A_229, %parallel_loop3A_230] : memref<2x64x512xf32, #tpu.memory_space<vmem>> -> memref<1x64x512xf32, #tpu.memory_space<vmem>>
            %parallel_loop3A_232 = tpu.memref_squeeze %parallel_loop3A_231 : memref<1x64x512xf32, #tpu.memory_space<vmem>> -> memref<64x512xf32, #tpu.memory_space<vmem>>
            %parallel_loop3A_233 = tpu.vector_load_idx %parallel_loop3A_232[%parallel_loop3A_228, %select_n3A_213] : memref<64x512xf32, #tpu.memory_space<vmem>>[vector<16xi32>, vector<16xi32>], vector<16xf32>,
            tpu.vector_store_idx %arg11[%iota3A, %parallel_loop3A_228], %parallel_loop3A_233 : memref<16x128xf32, #tpu.memory_space<vmem>>[vector<16xi32>, vector<16xi32>], vector<16xf32>,
          } {sc.loop_unroll_factor = 8 : i64, sc.parallel_access}
          "tpu.region"() ({
            %run_scoped3A = tpu.sem_alloc : memref<!tpu.dma_semaphore, #tpu.memory_space<semaphore_mem>>
            %dma_start3A = arith.constant 0 : i32
            %dma_start3A_224 = arith.constant 0 : i32
            %dma_start3A_225 = tpu.memref_slice %arg5[%dma_start3A, %dma_start3A_224] : memref<16400x128xf32, #tpu.memory_space<hbm>> -> memref<16400x128xf32, #tpu.memory_space<hbm>>
            tpu.enqueue_indirect_dma source(%arg11 : memref<16x128xf32, #tpu.memory_space<vmem>>) target(%dma_start3A_225 : memref<16400x128xf32, #tpu.memory_space<hbm>>) offsets(%select_n3A_219 : vector<16xi32>) semaphore(%run_scoped3A : memref<!tpu.dma_semaphore, #tpu.memory_space<semaphore_mem>>)
            %dma_wait3A_226 = arith.constant 0 : i32
            %dma_wait3A_227 = arith.constant 0 : i32
            %dma_wait3A_228 = tpu.memref_slice %arg5[%dma_wait3A_226, %dma_wait3A_227] : memref<16400x128xf32, #tpu.memory_space<hbm>> -> memref<16400x128xf32, #tpu.memory_space<hbm>>
            tpu.wait_indirect_dma semaphore(%run_scoped3A : memref<!tpu.dma_semaphore, #tpu.memory_space<semaphore_mem>>) src(%arg11 : memref<16x128xf32, #tpu.memory_space<vmem>>) dst(%dma_wait3A_228 : memref<16400x128xf32, #tpu.memory_space<hbm>>)
            tpu.yield
          }) : () -> ()
        }
      } else {
      }
      %eq3A_99 = arith.constant 1 : i32
      %eq3A_100 = arith.cmpi eq, %arg0, %eq3A_99 : i32
      %convert_element_type3A_101 = arith.extui %eq3A_100 : i1 to i32
      %cond3A_102 = arith.constant 0 : i32
      %cond3A_103 = arith.cmpi ne, %convert_element_type3A_101, %cond3A_102 : i32
      scf.if %cond3A_103 {
        %add3A_162 = arith.constant 16 : i32
        %add3A_163 = arith.addi %while3A_93, %add3A_162 : i32
        %sub3A_164 = arith.constant 1 : i32
        %sub3A_165 = arith.subi %add3A_163, %sub3A_164 : i32
        %jit3A_166 = arith.constant 16 : i32
        %div3A_167 = arith.divsi %sub3A_165, %jit3A_166 : i32
        %sign3A_168 = arith.constant 0 : i32
        %sign3A_169 = arith.cmpi sgt, %sub3A_165, %sign3A_168 : i32
        %sign3A_170 = arith.extui %sign3A_169 : i1 to i32
        %sign3A_171 = arith.constant 0 : i32
        %sign3A_172 = arith.cmpi slt, %sub3A_165, %sign3A_171 : i32
        %sign3A_173 = arith.extui %sign3A_172 : i1 to i32
        %sign3A_174 = arith.subi %sign3A_170, %sign3A_173 : i32
        %sign3A_175 = arith.constant 0 : i32
        %sign3A_176 = arith.cmpi sgt, %jit3A_166, %sign3A_175 : i32
        %sign3A_177 = arith.extui %sign3A_176 : i1 to i32
        %sign3A_178 = arith.constant 0 : i32
        %sign3A_179 = arith.cmpi slt, %jit3A_166, %sign3A_178 : i32
        %sign3A_180 = arith.extui %sign3A_179 : i1 to i32
        %sign3A_181 = arith.subi %sign3A_177, %sign3A_180 : i32
        %ne3A_182 = arith.cmpi ne, %sign3A_174, %sign3A_181 : i32
        %rem3A_183 = arith.remsi %sub3A_165, %jit3A_166 : i32
        %ne3A_184 = arith.constant 0 : i32
        %ne3A_185 = arith.cmpi ne, %rem3A_183, %ne3A_184 : i32
        %and3A_186 = arith.andi %ne3A_182, %ne3A_185 : i1
        %sub3A_187 = arith.constant 1 : i32
        %sub3A_188 = arith.subi %div3A_167, %sub3A_187 : i32
        %select_n3A_189 = arith.select %and3A_186, %sub3A_188, %div3A_167 : i32
        %while3A_190 = arith.constant 0 : i32
        %while3A_191 = arith.constant 0 : i32
        %while3A_192 = arith.subi %select_n3A_189, %while3A_191 : i32
        %while3A_193 = arith.addi %while3A_191, %while3A_192 : i32
        %while3A_194 = arith.constant 1 : i32
        %while3A_195 = arith.divsi %while3A_192, %while3A_194 : i32
        %while3A_196 = arith.muli %while3A_195, %while3A_194 : i32
        %while3A_197 = arith.addi %while3A_191, %while3A_196 : i32
        %while3A_198 = arith.constant 1 : i32
        scf.for %while3A_200 = %while3A_191 to %while3A_197 step %while3A_198  : i32 {
          %mul3A_201 = arith.constant 16 : i32
          %mul3A_202 = arith.muli %while3A_200, %mul3A_201 : i32
          %get3A = arith.index_cast %mul3A_202 : i32 to index
          %get3A_203 = tpu.vector_load %arg9[%get3A] {strides = array<i32>} : memref<16400xi32, #tpu.memory_space<vmem>>, vector<16xi32>,
          %mul3A_204 = arith.constant 16 : i32
          %mul3A_205 = arith.muli %while3A_200, %mul3A_204 : i32
          %add3A_206 = vector.broadcast %mul3A_205 : i32 to vector<16xi32>
          %add3A_207 = arith.addi %add3A_206, %iota3A : vector<16xi32>
          %lt3A_208 = vector.broadcast %while3A_93 : i32 to vector<16xi32>
          %lt3A_209 = arith.cmpi slt, %add3A_207, %lt3A_208 : vector<16xi32>
          %shift_right_arithmetic3A = arith.constant 14 : i32
          %shift_right_arithmetic3A_210 = vector.broadcast %shift_right_arithmetic3A : i32 to vector<16xi32>
          %shift_right_arithmetic3A_211 = arith.shrsi %get3A_203, %shift_right_arithmetic3A_210 : vector<16xi32>
          %jit3A_212 = arith.constant 0 : i32
          %broadcast_in_dim3A = vector.broadcast %jit3A_212 : i32 to vector<16xi32>
          %select_n3A_213 = arith.select %lt3A_209, %shift_right_arithmetic3A_211, %broadcast_in_dim3A : vector<16xi1>, vector<16xi32>
          %and3A_214 = arith.constant 16383 : i32
          %and3A_215 = vector.broadcast %and3A_214 : i32 to vector<16xi32>
          %and3A_216 = arith.andi %get3A_203, %and3A_215 : vector<16xi32>
          %jit3A_217 = arith.constant 16384 : i32
          %broadcast_in_dim3A_218 = vector.broadcast %jit3A_217 : i32 to vector<16xi32>
          %select_n3A_219 = arith.select %lt3A_209, %and3A_216, %broadcast_in_dim3A_218 : vector<16xi1>, vector<16xi32>
          %parallel_loop3A_220 = arith.constant 0 : i32
          %parallel_loop3A_221 = arith.constant 64 : i32
          %parallel_loop3A_222 = arith.constant 1 : i32
          %parallel_loop3A_223 = arith.constant 0 : i32
          scf.for %parallel_loop3A_224 = %parallel_loop3A_220 to %parallel_loop3A_221 step %parallel_loop3A_222  : i32 {
            %parallel_loop3A_225 = arith.constant 1 : i32
            %parallel_loop3A_226 = vector.broadcast %parallel_loop3A_225 : i32 to vector<16xi32>
            %parallel_loop3A_227 = vector.broadcast %parallel_loop3A_224 : i32 to vector<16xi32>
            %parallel_loop3A_228 = arith.muli %parallel_loop3A_226, %parallel_loop3A_227 : vector<16xi32>
            %parallel_loop3A_229 = arith.constant 0 : i32
            %parallel_loop3A_230 = arith.constant 0 : i32
            %parallel_loop3A_231 = tpu.memref_slice %arg10[%parallel_loop3A_223, %parallel_loop3A_229, %parallel_loop3A_230] : memref<2x64x512xf32, #tpu.memory_space<vmem>> -> memref<1x64x512xf32, #tpu.memory_space<vmem>>
            %parallel_loop3A_232 = tpu.memref_squeeze %parallel_loop3A_231 : memref<1x64x512xf32, #tpu.memory_space<vmem>> -> memref<64x512xf32, #tpu.memory_space<vmem>>
            %parallel_loop3A_233 = tpu.vector_load_idx %parallel_loop3A_232[%parallel_loop3A_228, %select_n3A_213] : memref<64x512xf32, #tpu.memory_space<vmem>>[vector<16xi32>, vector<16xi32>], vector<16xf32>,
            tpu.vector_store_idx %arg11[%iota3A, %parallel_loop3A_228], %parallel_loop3A_233 : memref<16x128xf32, #tpu.memory_space<vmem>>[vector<16xi32>, vector<16xi32>], vector<16xf32>,
          } {sc.loop_unroll_factor = 8 : i64, sc.parallel_access}
          "tpu.region"() ({
            %run_scoped3A = tpu.sem_alloc : memref<!tpu.dma_semaphore, #tpu.memory_space<semaphore_mem>>
            %dma_start3A = arith.constant 0 : i32
            %dma_start3A_224 = arith.constant 0 : i32
            %dma_start3A_225 = tpu.memref_slice %arg6[%dma_start3A, %dma_start3A_224] : memref<16400x128xf32, #tpu.memory_space<hbm>> -> memref<16400x128xf32, #tpu.memory_space<hbm>>
            tpu.enqueue_indirect_dma source(%arg11 : memref<16x128xf32, #tpu.memory_space<vmem>>) target(%dma_start3A_225 : memref<16400x128xf32, #tpu.memory_space<hbm>>) offsets(%select_n3A_219 : vector<16xi32>) semaphore(%run_scoped3A : memref<!tpu.dma_semaphore, #tpu.memory_space<semaphore_mem>>)
            %dma_wait3A_226 = arith.constant 0 : i32
            %dma_wait3A_227 = arith.constant 0 : i32
            %dma_wait3A_228 = tpu.memref_slice %arg6[%dma_wait3A_226, %dma_wait3A_227] : memref<16400x128xf32, #tpu.memory_space<hbm>> -> memref<16400x128xf32, #tpu.memory_space<hbm>>
            tpu.wait_indirect_dma semaphore(%run_scoped3A : memref<!tpu.dma_semaphore, #tpu.memory_space<semaphore_mem>>) src(%arg11 : memref<16x128xf32, #tpu.memory_space<vmem>>) dst(%dma_wait3A_228 : memref<16400x128xf32, #tpu.memory_space<hbm>>)
            tpu.yield
          }) : () -> ()
        }
        %while3A_199 = arith.constant 1 : i32
        scf.for %while3A_200 = %while3A_197 to %while3A_193 step %while3A_199  : i32 {
          %mul3A_201 = arith.constant 16 : i32
          %mul3A_202 = arith.muli %while3A_200, %mul3A_201 : i32
          %get3A = arith.index_cast %mul3A_202 : i32 to index
          %get3A_203 = tpu.vector_load %arg9[%get3A] {strides = array<i32>} : memref<16400xi32, #tpu.memory_space<vmem>>, vector<16xi32>,
          %mul3A_204 = arith.constant 16 : i32
          %mul3A_205 = arith.muli %while3A_200, %mul3A_204 : i32
          %add3A_206 = vector.broadcast %mul3A_205 : i32 to vector<16xi32>
          %add3A_207 = arith.addi %add3A_206, %iota3A : vector<16xi32>
          %lt3A_208 = vector.broadcast %while3A_93 : i32 to vector<16xi32>
          %lt3A_209 = arith.cmpi slt, %add3A_207, %lt3A_208 : vector<16xi32>
          %shift_right_arithmetic3A = arith.constant 14 : i32
          %shift_right_arithmetic3A_210 = vector.broadcast %shift_right_arithmetic3A : i32 to vector<16xi32>
          %shift_right_arithmetic3A_211 = arith.shrsi %get3A_203, %shift_right_arithmetic3A_210 : vector<16xi32>
          %jit3A_212 = arith.constant 0 : i32
          %broadcast_in_dim3A = vector.broadcast %jit3A_212 : i32 to vector<16xi32>
          %select_n3A_213 = arith.select %lt3A_209, %shift_right_arithmetic3A_211, %broadcast_in_dim3A : vector<16xi1>, vector<16xi32>
          %and3A_214 = arith.constant 16383 : i32
          %and3A_215 = vector.broadcast %and3A_214 : i32 to vector<16xi32>
          %and3A_216 = arith.andi %get3A_203, %and3A_215 : vector<16xi32>
          %jit3A_217 = arith.constant 16384 : i32
          %broadcast_in_dim3A_218 = vector.broadcast %jit3A_217 : i32 to vector<16xi32>
          %select_n3A_219 = arith.select %lt3A_209, %and3A_216, %broadcast_in_dim3A_218 : vector<16xi1>, vector<16xi32>
          %parallel_loop3A_220 = arith.constant 0 : i32
          %parallel_loop3A_221 = arith.constant 64 : i32
          %parallel_loop3A_222 = arith.constant 1 : i32
          %parallel_loop3A_223 = arith.constant 0 : i32
          scf.for %parallel_loop3A_224 = %parallel_loop3A_220 to %parallel_loop3A_221 step %parallel_loop3A_222  : i32 {
            %parallel_loop3A_225 = arith.constant 1 : i32
            %parallel_loop3A_226 = vector.broadcast %parallel_loop3A_225 : i32 to vector<16xi32>
            %parallel_loop3A_227 = vector.broadcast %parallel_loop3A_224 : i32 to vector<16xi32>
            %parallel_loop3A_228 = arith.muli %parallel_loop3A_226, %parallel_loop3A_227 : vector<16xi32>
            %parallel_loop3A_229 = arith.constant 0 : i32
            %parallel_loop3A_230 = arith.constant 0 : i32
            %parallel_loop3A_231 = tpu.memref_slice %arg10[%parallel_loop3A_223, %parallel_loop3A_229, %parallel_loop3A_230] : memref<2x64x512xf32, #tpu.memory_space<vmem>> -> memref<1x64x512xf32, #tpu.memory_space<vmem>>
            %parallel_loop3A_232 = tpu.memref_squeeze %parallel_loop3A_231 : memref<1x64x512xf32, #tpu.memory_space<vmem>> -> memref<64x512xf32, #tpu.memory_space<vmem>>
            %parallel_loop3A_233 = tpu.vector_load_idx %parallel_loop3A_232[%parallel_loop3A_228, %select_n3A_213] : memref<64x512xf32, #tpu.memory_space<vmem>>[vector<16xi32>, vector<16xi32>], vector<16xf32>,
            tpu.vector_store_idx %arg11[%iota3A, %parallel_loop3A_228], %parallel_loop3A_233 : memref<16x128xf32, #tpu.memory_space<vmem>>[vector<16xi32>, vector<16xi32>], vector<16xf32>,
          } {sc.loop_unroll_factor = 8 : i64, sc.parallel_access}
          "tpu.region"() ({
            %run_scoped3A = tpu.sem_alloc : memref<!tpu.dma_semaphore, #tpu.memory_space<semaphore_mem>>
            %dma_start3A = arith.constant 0 : i32
            %dma_start3A_224 = arith.constant 0 : i32
            %dma_start3A_225 = tpu.memref_slice %arg6[%dma_start3A, %dma_start3A_224] : memref<16400x128xf32, #tpu.memory_space<hbm>> -> memref<16400x128xf32, #tpu.memory_space<hbm>>
            tpu.enqueue_indirect_dma source(%arg11 : memref<16x128xf32, #tpu.memory_space<vmem>>) target(%dma_start3A_225 : memref<16400x128xf32, #tpu.memory_space<hbm>>) offsets(%select_n3A_219 : vector<16xi32>) semaphore(%run_scoped3A : memref<!tpu.dma_semaphore, #tpu.memory_space<semaphore_mem>>)
            %dma_wait3A_226 = arith.constant 0 : i32
            %dma_wait3A_227 = arith.constant 0 : i32
            %dma_wait3A_228 = tpu.memref_slice %arg6[%dma_wait3A_226, %dma_wait3A_227] : memref<16400x128xf32, #tpu.memory_space<hbm>> -> memref<16400x128xf32, #tpu.memory_space<hbm>>
            tpu.wait_indirect_dma semaphore(%run_scoped3A : memref<!tpu.dma_semaphore, #tpu.memory_space<semaphore_mem>>) src(%arg11 : memref<16x128xf32, #tpu.memory_space<vmem>>) dst(%dma_wait3A_228 : memref<16400x128xf32, #tpu.memory_space<hbm>>)
            tpu.yield
          }) : () -> ()
        }
      } else {
      }
      %lt3A = arith.constant 12 : i32
      %lt3A_104 = arith.cmpi slt, %add3A_60, %lt3A : i32
      %convert_element_type3A_105 = arith.extui %lt3A_104 : i1 to i32
      %cond3A_106 = arith.constant 0 : i32
      %cond3A_107 = arith.cmpi ne, %convert_element_type3A_105, %cond3A_106 : i32
      scf.if %cond3A_107 {
        %add3A_162 = arith.constant 2 : i32
        %add3A_163 = arith.addi %add3A_60, %add3A_162 : i32
        %mul3A_164 = arith.constant 6272 : i32
        %mul3A_165 = arith.muli %arg1, %mul3A_164 : i32
        %mul3A_166 = arith.constant 512 : i32
        %mul3A_167 = arith.muli %add3A_163, %mul3A_166 : i32
        %add3A_168 = arith.addi %mul3A_165, %mul3A_167 : i32
        %min3A_169 = arith.constant 99584 : i32
        %min3A_170 = arith.minsi %add3A_168, %min3A_169 : i32
        %multiple_of3A_171 = tpu.assume_multiple %min3A_170, 128 : i32
        %eq3A_172 = arith.constant 0 : i32
        %eq3A_173 = arith.cmpi eq, %arg0, %eq3A_172 : i32
        %convert_element_type3A_174 = arith.extui %eq3A_173 : i1 to i32
        %cond3A_175 = arith.constant 0 : i32
        %cond3A_176 = arith.cmpi ne, %convert_element_type3A_174, %cond3A_175 : i32
        scf.if %cond3A_176 {
          %dma_start3A = arith.constant 0 : i32
          %dma_start3A_182 = arith.constant 0 : i32
          %dma_start3A_183 = arith.constant 0 : i32
          %dma_start3A_184 = tpu.memref_slice %arg10[%dma_start3A, %dma_start3A_182, %dma_start3A_183] : memref<2x64x512xf32, #tpu.memory_space<vmem>> -> memref<1x64x512xf32, #tpu.memory_space<vmem>>
          %dma_start3A_185 = tpu.memref_squeeze %dma_start3A_184 : memref<1x64x512xf32, #tpu.memory_space<vmem>> -> memref<64x512xf32, #tpu.memory_space<vmem>>
          %dma_start3A_186 = arith.constant 0 : i32
          %dma_start3A_187 = tpu.memref_slice %arg3[%dma_start3A_186, %multiple_of3A_171] : memref<64x100000xf32, #tpu.memory_space<hbm>> -> memref<64x512xf32, #tpu.memory_space<hbm>>
          %dma_start3A_188 = arith.constant 0 : i32
          %dma_start3A_189 = arith.constant 0 : i32
          %dma_start3A_190 = tpu.memref_slice %arg10[%dma_start3A, %dma_start3A_188, %dma_start3A_189] : memref<2x64x512xf32, #tpu.memory_space<vmem>> -> memref<1x64x512xf32, #tpu.memory_space<vmem>>
          %dma_start3A_191 = tpu.memref_squeeze %dma_start3A_190 : memref<1x64x512xf32, #tpu.memory_space<vmem>> -> memref<64x512xf32, #tpu.memory_space<vmem>>
          %dma_start3A_192 = arith.constant 0 : i32
          %dma_start3A_193 = tpu.memref_slice %arg3[%dma_start3A_192, %multiple_of3A_171] : memref<64x100000xf32, #tpu.memory_space<hbm>> -> memref<64x512xf32, #tpu.memory_space<hbm>>
          tpu.enqueue_dma source(%dma_start3A_193 : memref<64x512xf32, #tpu.memory_space<hbm>>) target(%dma_start3A_191 : memref<64x512xf32, #tpu.memory_space<vmem>>) target_semaphore(%arg12 : memref<!tpu.dma_semaphore, #tpu.memory_space<semaphore_mem>>)
        } else {
        }
        %eq3A_177 = arith.constant 1 : i32
        %eq3A_178 = arith.cmpi eq, %arg0, %eq3A_177 : i32
        %convert_element_type3A_179 = arith.extui %eq3A_178 : i1 to i32
        %cond3A_180 = arith.constant 0 : i32
        %cond3A_181 = arith.cmpi ne, %convert_element_type3A_179, %cond3A_180 : i32
        scf.if %cond3A_181 {
          %dma_start3A = arith.constant 0 : i32
          %dma_start3A_182 = arith.constant 0 : i32
          %dma_start3A_183 = arith.constant 0 : i32
          %dma_start3A_184 = tpu.memref_slice %arg10[%dma_start3A, %dma_start3A_182, %dma_start3A_183] : memref<2x64x512xf32, #tpu.memory_space<vmem>> -> memref<1x64x512xf32, #tpu.memory_space<vmem>>
          %dma_start3A_185 = tpu.memref_squeeze %dma_start3A_184 : memref<1x64x512xf32, #tpu.memory_space<vmem>> -> memref<64x512xf32, #tpu.memory_space<vmem>>
          %dma_start3A_186 = arith.constant 0 : i32
          %dma_start3A_187 = tpu.memref_slice %arg4[%dma_start3A_186, %multiple_of3A_171] : memref<64x100000xf32, #tpu.memory_space<hbm>> -> memref<64x512xf32, #tpu.memory_space<hbm>>
          %dma_start3A_188 = arith.constant 0 : i32
          %dma_start3A_189 = arith.constant 0 : i32
          %dma_start3A_190 = tpu.memref_slice %arg10[%dma_start3A, %dma_start3A_188, %dma_start3A_189] : memref<2x64x512xf32, #tpu.memory_space<vmem>> -> memref<1x64x512xf32, #tpu.memory_space<vmem>>
          %dma_start3A_191 = tpu.memref_squeeze %dma_start3A_190 : memref<1x64x512xf32, #tpu.memory_space<vmem>> -> memref<64x512xf32, #tpu.memory_space<vmem>>
          %dma_start3A_192 = arith.constant 0 : i32
          %dma_start3A_193 = tpu.memref_slice %arg4[%dma_start3A_192, %multiple_of3A_171] : memref<64x100000xf32, #tpu.memory_space<hbm>> -> memref<64x512xf32, #tpu.memory_space<hbm>>
          tpu.enqueue_dma source(%dma_start3A_193 : memref<64x512xf32, #tpu.memory_space<hbm>>) target(%dma_start3A_191 : memref<64x512xf32, #tpu.memory_space<vmem>>) target_semaphore(%arg12 : memref<!tpu.dma_semaphore, #tpu.memory_space<semaphore_mem>>)
        } else {
        }
      } else {
      }
      %mul3A_108 = arith.constant 2 : i32
      %mul3A_109 = arith.muli %scan3A_56, %mul3A_108 : i32
      %add3A_110 = arith.constant 1 : i32
      %add3A_111 = arith.addi %mul3A_109, %add3A_110 : i32
      %mul3A_112 = arith.constant 6272 : i32
      %mul3A_113 = arith.muli %arg1, %mul3A_112 : i32
      %mul3A_114 = arith.constant 512 : i32
      %mul3A_115 = arith.muli %add3A_111, %mul3A_114 : i32
      %add3A_116 = arith.addi %mul3A_113, %mul3A_115 : i32
      %min3A_117 = arith.constant 99584 : i32
      %min3A_118 = arith.minsi %add3A_116, %min3A_117 : i32
      %multiple_of3A_119 = tpu.assume_multiple %min3A_118, 128 : i32
      %dma_wait3A_120 = arith.constant 1 : i32
      %dma_wait3A_121 = arith.constant 0 : i32
      %dma_wait3A_122 = arith.constant 0 : i32
      %dma_wait3A_123 = tpu.memref_slice %arg10[%dma_wait3A_120, %dma_wait3A_121, %dma_wait3A_122] : memref<2x64x512xf32, #tpu.memory_space<vmem>> -> memref<1x64x512xf32, #tpu.memory_space<vmem>>
      %dma_wait3A_124 = tpu.memref_squeeze %dma_wait3A_123 : memref<1x64x512xf32, #tpu.memory_space<vmem>> -> memref<64x512xf32, #tpu.memory_space<vmem>>
      %dma_wait3A_125 = arith.constant 0 : i32
      %dma_wait3A_126 = arith.constant 0 : i32
      %dma_wait3A_127 = tpu.memref_slice %arg3[%dma_wait3A_125, %dma_wait3A_126] : memref<64x100000xf32, #tpu.memory_space<hbm>> -> memref<64x512xf32, #tpu.memory_space<hbm>>
      %dma_wait3A_128 = arith.constant 0 : i32
      %dma_wait3A_129 = arith.constant 0 : i32
      %dma_wait3A_130 = tpu.memref_slice %arg10[%dma_wait3A_120, %dma_wait3A_128, %dma_wait3A_129] : memref<2x64x512xf32, #tpu.memory_space<vmem>> -> memref<1x64x512xf32, #tpu.memory_space<vmem>>
      %dma_wait3A_131 = tpu.memref_squeeze %dma_wait3A_130 : memref<1x64x512xf32, #tpu.memory_space<vmem>> -> memref<64x512xf32, #tpu.memory_space<vmem>>
      %dma_wait3A_132 = arith.constant 0 : i32
      %dma_wait3A_133 = arith.constant 0 : i32
      %dma_wait3A_134 = tpu.memref_slice %arg3[%dma_wait3A_132, %dma_wait3A_133] : memref<64x100000xf32, #tpu.memory_space<hbm>> -> memref<64x512xf32, #tpu.memory_space<hbm>>
      tpu.wait_dma2 semaphore(%arg13 : memref<!tpu.dma_semaphore, #tpu.memory_space<semaphore_mem>>) src(%dma_wait3A_134 : memref<64x512xf32, #tpu.memory_space<hbm>>) dst(%dma_wait3A_131 : memref<64x512xf32, #tpu.memory_space<vmem>>)
      %while3A_135 = arith.constant 0 : i32
      %while3A_136 = arith.constant 0 : i32
      %while3A_137 = arith.subi %select_n3A, %while3A_135 : i32
      %while3A_138 = arith.addi %while3A_135, %while3A_137 : i32
      %while3A_139 = arith.constant 1 : i32
      %while3A_140 = arith.divsi %while3A_137, %while3A_139 : i32
      %while3A_141 = arith.muli %while3A_140, %while3A_139 : i32
      %while3A_142 = arith.addi %while3A_135, %while3A_141 : i32
      %while3A_143 = arith.constant 1 : i32
      %while3A_144 = scf.for %while3A_162 = %while3A_135 to %while3A_142 step %while3A_143 iter_args(%while3A_163 = %while3A_136) -> (i32)  : i32 {
        %mul3A_164 = arith.constant 16 : i32
        %mul3A_165 = arith.muli %while3A_162, %mul3A_164 : i32
        %get3A = arith.index_cast %mul3A_165 : i32 to index
        %get3A_166 = tpu.vector_load %arg8[%get3A] {strides = array<i32>} : memref<16400xi32, #tpu.memory_space<vmem>>, vector<16xi32>,
        %shift_right_arithmetic3A = arith.constant 14 : i32
        %shift_right_arithmetic3A_167 = vector.broadcast %shift_right_arithmetic3A : i32 to vector<16xi32>
        %shift_right_arithmetic3A_168 = arith.shrsi %get3A_166, %shift_right_arithmetic3A_167 : vector<16xi32>
        %mul3A_169 = arith.constant 16 : i32
        %mul3A_170 = arith.muli %while3A_162, %mul3A_169 : i32
        %add3A_171 = vector.broadcast %mul3A_170 : i32 to vector<16xi32>
        %add3A_172 = arith.addi %add3A_171, %iota3A : vector<16xi32>
        %lt3A_173 = vector.broadcast %parallel_loop3A_30 : i32 to vector<16xi32>
        %lt3A_174 = arith.cmpi slt, %add3A_172, %lt3A_173 : vector<16xi32>
        %mul3A_175 = arith.constant 6272 : i32
        %mul3A_176 = arith.muli %arg1, %mul3A_175 : i32
        %sub3A_177 = vector.broadcast %mul3A_176 : i32 to vector<16xi32>
        %sub3A_178 = arith.subi %shift_right_arithmetic3A_168, %sub3A_177 : vector<16xi32>
        %shift_right_arithmetic3A_179 = arith.constant 9 : i32
        %shift_right_arithmetic3A_180 = vector.broadcast %shift_right_arithmetic3A_179 : i32 to vector<16xi32>
        %shift_right_arithmetic3A_181 = arith.shrsi %sub3A_178, %shift_right_arithmetic3A_180 : vector<16xi32>
        %eq3A_182 = vector.broadcast %add3A_111 : i32 to vector<16xi32>
        %eq3A_183 = arith.cmpi eq, %shift_right_arithmetic3A_181, %eq3A_182 : vector<16xi32>
        %and3A_184 = arith.andi %lt3A_174, %eq3A_183 : vector<16xi1>
        %sub3A_185 = vector.broadcast %multiple_of3A_119 : i32 to vector<16xi32>
        %sub3A_186 = arith.subi %shift_right_arithmetic3A_168, %sub3A_185 : vector<16xi32>
        %shift_left3A = arith.constant 14 : i32
        %shift_left3A_187 = vector.broadcast %shift_left3A : i32 to vector<16xi32>
        %shift_left3A_188 = arith.shli %sub3A_186, %shift_left3A_187 : vector<16xi32>
        %and3A_189 = arith.constant 16383 : i32
        %and3A_190 = vector.broadcast %and3A_189 : i32 to vector<16xi32>
        %and3A_191 = arith.andi %get3A_166, %and3A_190 : vector<16xi32>
        %or3A = arith.ori %shift_left3A_188, %and3A_191 : vector<16xi32>
        %swap3A = arith.index_cast %while3A_163 : i32 to index
        %swap3A_192 = tpu.vector_load %arg9[%swap3A] masked %and3A_184 {strides = array<i32>} : memref<16400xi32, #tpu.memory_space<vmem>>, vector<16xi32>, vector<16xi1>
        tpu.vector_store %arg9[%swap3A], %or3A masked %and3A_184 {strides = array<i32>} : memref<16400xi32, #tpu.memory_space<vmem>>, vector<16xi32>, vector<16xi1>
        %all_reduce_population_count3A = tpu.all_reduce %and3A_184 {dim = 0 : i64, kind = #tpu.reduction_kind<sum>} : vector<16xi1> -> vector<16xi32>
        %slice3A = vector.extract_strided_slice %all_reduce_population_count3A {offsets = [0], sizes = [1], strides = [1]} : vector<16xi32> to vector<1xi32>
        %squeeze3A = vector.extract %slice3A[0] : i32 from vector<1xi32>
        %add3A_193 = arith.addi %while3A_163, %squeeze3A : i32
        scf.yield %add3A_193 : i32
      }
      %while3A_145 = arith.constant 1 : i32
      %while3A_146 = scf.for %while3A_162 = %while3A_142 to %while3A_138 step %while3A_145 iter_args(%while3A_163 = %while3A_144) -> (i32)  : i32 {
        %mul3A_164 = arith.constant 16 : i32
        %mul3A_165 = arith.muli %while3A_162, %mul3A_164 : i32
        %get3A = arith.index_cast %mul3A_165 : i32 to index
        %get3A_166 = tpu.vector_load %arg8[%get3A] {strides = array<i32>} : memref<16400xi32, #tpu.memory_space<vmem>>, vector<16xi32>,
        %shift_right_arithmetic3A = arith.constant 14 : i32
        %shift_right_arithmetic3A_167 = vector.broadcast %shift_right_arithmetic3A : i32 to vector<16xi32>
        %shift_right_arithmetic3A_168 = arith.shrsi %get3A_166, %shift_right_arithmetic3A_167 : vector<16xi32>
        %mul3A_169 = arith.constant 16 : i32
        %mul3A_170 = arith.muli %while3A_162, %mul3A_169 : i32
        %add3A_171 = vector.broadcast %mul3A_170 : i32 to vector<16xi32>
        %add3A_172 = arith.addi %add3A_171, %iota3A : vector<16xi32>
        %lt3A_173 = vector.broadcast %parallel_loop3A_30 : i32 to vector<16xi32>
        %lt3A_174 = arith.cmpi slt, %add3A_172, %lt3A_173 : vector<16xi32>
        %mul3A_175 = arith.constant 6272 : i32
        %mul3A_176 = arith.muli %arg1, %mul3A_175 : i32
        %sub3A_177 = vector.broadcast %mul3A_176 : i32 to vector<16xi32>
        %sub3A_178 = arith.subi %shift_right_arithmetic3A_168, %sub3A_177 : vector<16xi32>
        %shift_right_arithmetic3A_179 = arith.constant 9 : i32
        %shift_right_arithmetic3A_180 = vector.broadcast %shift_right_arithmetic3A_179 : i32 to vector<16xi32>
        %shift_right_arithmetic3A_181 = arith.shrsi %sub3A_178, %shift_right_arithmetic3A_180 : vector<16xi32>
        %eq3A_182 = vector.broadcast %add3A_111 : i32 to vector<16xi32>
        %eq3A_183 = arith.cmpi eq, %shift_right_arithmetic3A_181, %eq3A_182 : vector<16xi32>
        %and3A_184 = arith.andi %lt3A_174, %eq3A_183 : vector<16xi1>
        %sub3A_185 = vector.broadcast %multiple_of3A_119 : i32 to vector<16xi32>
        %sub3A_186 = arith.subi %shift_right_arithmetic3A_168, %sub3A_185 : vector<16xi32>
        %shift_left3A = arith.constant 14 : i32
        %shift_left3A_187 = vector.broadcast %shift_left3A : i32 to vector<16xi32>
        %shift_left3A_188 = arith.shli %sub3A_186, %shift_left3A_187 : vector<16xi32>
        %and3A_189 = arith.constant 16383 : i32
        %and3A_190 = vector.broadcast %and3A_189 : i32 to vector<16xi32>
        %and3A_191 = arith.andi %get3A_166, %and3A_190 : vector<16xi32>
        %or3A = arith.ori %shift_left3A_188, %and3A_191 : vector<16xi32>
        %swap3A = arith.index_cast %while3A_163 : i32 to index
        %swap3A_192 = tpu.vector_load %arg9[%swap3A] masked %and3A_184 {strides = array<i32>} : memref<16400xi32, #tpu.memory_space<vmem>>, vector<16xi32>, vector<16xi1>
        tpu.vector_store %arg9[%swap3A], %or3A masked %and3A_184 {strides = array<i32>} : memref<16400xi32, #tpu.memory_space<vmem>>, vector<16xi32>, vector<16xi1>
        %all_reduce_population_count3A = tpu.all_reduce %and3A_184 {dim = 0 : i64, kind = #tpu.reduction_kind<sum>} : vector<16xi1> -> vector<16xi32>
        %slice3A = vector.extract_strided_slice %all_reduce_population_count3A {offsets = [0], sizes = [1], strides = [1]} : vector<16xi32> to vector<1xi32>
        %squeeze3A = vector.extract %slice3A[0] : i32 from vector<1xi32>
        %add3A_193 = arith.addi %while3A_163, %squeeze3A : i32
        scf.yield %add3A_193 : i32
      }
      %eq3A_147 = arith.constant 0 : i32
      %eq3A_148 = arith.cmpi eq, %arg0, %eq3A_147 : i32
      %convert_element_type3A_149 = arith.extui %eq3A_148 : i1 to i32
      %cond3A_150 = arith.constant 0 : i32
      %cond3A_151 = arith.cmpi ne, %convert_element_type3A_149, %cond3A_150 : i32
      scf.if %cond3A_151 {
        %add3A_162 = arith.constant 16 : i32
        %add3A_163 = arith.addi %while3A_146, %add3A_162 : i32
        %sub3A_164 = arith.constant 1 : i32
        %sub3A_165 = arith.subi %add3A_163, %sub3A_164 : i32
        %jit3A_166 = arith.constant 16 : i32
        %div3A_167 = arith.divsi %sub3A_165, %jit3A_166 : i32
        %sign3A_168 = arith.constant 0 : i32
        %sign3A_169 = arith.cmpi sgt, %sub3A_165, %sign3A_168 : i32
        %sign3A_170 = arith.extui %sign3A_169 : i1 to i32
        %sign3A_171 = arith.constant 0 : i32
        %sign3A_172 = arith.cmpi slt, %sub3A_165, %sign3A_171 : i32
        %sign3A_173 = arith.extui %sign3A_172 : i1 to i32
        %sign3A_174 = arith.subi %sign3A_170, %sign3A_173 : i32
        %sign3A_175 = arith.constant 0 : i32
        %sign3A_176 = arith.cmpi sgt, %jit3A_166, %sign3A_175 : i32
        %sign3A_177 = arith.extui %sign3A_176 : i1 to i32
        %sign3A_178 = arith.constant 0 : i32
        %sign3A_179 = arith.cmpi slt, %jit3A_166, %sign3A_178 : i32
        %sign3A_180 = arith.extui %sign3A_179 : i1 to i32
        %sign3A_181 = arith.subi %sign3A_177, %sign3A_180 : i32
        %ne3A_182 = arith.cmpi ne, %sign3A_174, %sign3A_181 : i32
        %rem3A_183 = arith.remsi %sub3A_165, %jit3A_166 : i32
        %ne3A_184 = arith.constant 0 : i32
        %ne3A_185 = arith.cmpi ne, %rem3A_183, %ne3A_184 : i32
        %and3A_186 = arith.andi %ne3A_182, %ne3A_185 : i1
        %sub3A_187 = arith.constant 1 : i32
        %sub3A_188 = arith.subi %div3A_167, %sub3A_187 : i32
        %select_n3A_189 = arith.select %and3A_186, %sub3A_188, %div3A_167 : i32
        %while3A_190 = arith.constant 0 : i32
        %while3A_191 = arith.constant 0 : i32
        %while3A_192 = arith.subi %select_n3A_189, %while3A_191 : i32
        %while3A_193 = arith.addi %while3A_191, %while3A_192 : i32
        %while3A_194 = arith.constant 1 : i32
        %while3A_195 = arith.divsi %while3A_192, %while3A_194 : i32
        %while3A_196 = arith.muli %while3A_195, %while3A_194 : i32
        %while3A_197 = arith.addi %while3A_191, %while3A_196 : i32
        %while3A_198 = arith.constant 1 : i32
        scf.for %while3A_200 = %while3A_191 to %while3A_197 step %while3A_198  : i32 {
          %mul3A_201 = arith.constant 16 : i32
          %mul3A_202 = arith.muli %while3A_200, %mul3A_201 : i32
          %get3A = arith.index_cast %mul3A_202 : i32 to index
          %get3A_203 = tpu.vector_load %arg9[%get3A] {strides = array<i32>} : memref<16400xi32, #tpu.memory_space<vmem>>, vector<16xi32>,
          %mul3A_204 = arith.constant 16 : i32
          %mul3A_205 = arith.muli %while3A_200, %mul3A_204 : i32
          %add3A_206 = vector.broadcast %mul3A_205 : i32 to vector<16xi32>
          %add3A_207 = arith.addi %add3A_206, %iota3A : vector<16xi32>
          %lt3A_208 = vector.broadcast %while3A_146 : i32 to vector<16xi32>
          %lt3A_209 = arith.cmpi slt, %add3A_207, %lt3A_208 : vector<16xi32>
          %shift_right_arithmetic3A = arith.constant 14 : i32
          %shift_right_arithmetic3A_210 = vector.broadcast %shift_right_arithmetic3A : i32 to vector<16xi32>
          %shift_right_arithmetic3A_211 = arith.shrsi %get3A_203, %shift_right_arithmetic3A_210 : vector<16xi32>
          %jit3A_212 = arith.constant 0 : i32
          %broadcast_in_dim3A = vector.broadcast %jit3A_212 : i32 to vector<16xi32>
          %select_n3A_213 = arith.select %lt3A_209, %shift_right_arithmetic3A_211, %broadcast_in_dim3A : vector<16xi1>, vector<16xi32>
          %and3A_214 = arith.constant 16383 : i32
          %and3A_215 = vector.broadcast %and3A_214 : i32 to vector<16xi32>
          %and3A_216 = arith.andi %get3A_203, %and3A_215 : vector<16xi32>
          %jit3A_217 = arith.constant 16384 : i32
          %broadcast_in_dim3A_218 = vector.broadcast %jit3A_217 : i32 to vector<16xi32>
          %select_n3A_219 = arith.select %lt3A_209, %and3A_216, %broadcast_in_dim3A_218 : vector<16xi1>, vector<16xi32>
          %parallel_loop3A_220 = arith.constant 0 : i32
          %parallel_loop3A_221 = arith.constant 64 : i32
          %parallel_loop3A_222 = arith.constant 1 : i32
          %parallel_loop3A_223 = arith.constant 1 : i32
          scf.for %parallel_loop3A_224 = %parallel_loop3A_220 to %parallel_loop3A_221 step %parallel_loop3A_222  : i32 {
            %parallel_loop3A_225 = arith.constant 1 : i32
            %parallel_loop3A_226 = vector.broadcast %parallel_loop3A_225 : i32 to vector<16xi32>
            %parallel_loop3A_227 = vector.broadcast %parallel_loop3A_224 : i32 to vector<16xi32>
            %parallel_loop3A_228 = arith.muli %parallel_loop3A_226, %parallel_loop3A_227 : vector<16xi32>
            %parallel_loop3A_229 = arith.constant 0 : i32
            %parallel_loop3A_230 = arith.constant 0 : i32
            %parallel_loop3A_231 = tpu.memref_slice %arg10[%parallel_loop3A_223, %parallel_loop3A_229, %parallel_loop3A_230] : memref<2x64x512xf32, #tpu.memory_space<vmem>> -> memref<1x64x512xf32, #tpu.memory_space<vmem>>
            %parallel_loop3A_232 = tpu.memref_squeeze %parallel_loop3A_231 : memref<1x64x512xf32, #tpu.memory_space<vmem>> -> memref<64x512xf32, #tpu.memory_space<vmem>>
            %parallel_loop3A_233 = tpu.vector_load_idx %parallel_loop3A_232[%parallel_loop3A_228, %select_n3A_213] : memref<64x512xf32, #tpu.memory_space<vmem>>[vector<16xi32>, vector<16xi32>], vector<16xf32>,
            tpu.vector_store_idx %arg11[%iota3A, %parallel_loop3A_228], %parallel_loop3A_233 : memref<16x128xf32, #tpu.memory_space<vmem>>[vector<16xi32>, vector<16xi32>], vector<16xf32>,
          } {sc.loop_unroll_factor = 8 : i64, sc.parallel_access}
          "tpu.region"() ({
            %run_scoped3A = tpu.sem_alloc : memref<!tpu.dma_semaphore, #tpu.memory_space<semaphore_mem>>
            %dma_start3A = arith.constant 0 : i32
            %dma_start3A_224 = arith.constant 0 : i32
            %dma_start3A_225 = tpu.memref_slice %arg5[%dma_start3A, %dma_start3A_224] : memref<16400x128xf32, #tpu.memory_space<hbm>> -> memref<16400x128xf32, #tpu.memory_space<hbm>>
            tpu.enqueue_indirect_dma source(%arg11 : memref<16x128xf32, #tpu.memory_space<vmem>>) target(%dma_start3A_225 : memref<16400x128xf32, #tpu.memory_space<hbm>>) offsets(%select_n3A_219 : vector<16xi32>) semaphore(%run_scoped3A : memref<!tpu.dma_semaphore, #tpu.memory_space<semaphore_mem>>)
            %dma_wait3A_226 = arith.constant 0 : i32
            %dma_wait3A_227 = arith.constant 0 : i32
            %dma_wait3A_228 = tpu.memref_slice %arg5[%dma_wait3A_226, %dma_wait3A_227] : memref<16400x128xf32, #tpu.memory_space<hbm>> -> memref<16400x128xf32, #tpu.memory_space<hbm>>
            tpu.wait_indirect_dma semaphore(%run_scoped3A : memref<!tpu.dma_semaphore, #tpu.memory_space<semaphore_mem>>) src(%arg11 : memref<16x128xf32, #tpu.memory_space<vmem>>) dst(%dma_wait3A_228 : memref<16400x128xf32, #tpu.memory_space<hbm>>)
            tpu.yield
          }) : () -> ()
        }
        %while3A_199 = arith.constant 1 : i32
        scf.for %while3A_200 = %while3A_197 to %while3A_193 step %while3A_199  : i32 {
          %mul3A_201 = arith.constant 16 : i32
          %mul3A_202 = arith.muli %while3A_200, %mul3A_201 : i32
          %get3A = arith.index_cast %mul3A_202 : i32 to index
          %get3A_203 = tpu.vector_load %arg9[%get3A] {strides = array<i32>} : memref<16400xi32, #tpu.memory_space<vmem>>, vector<16xi32>,
          %mul3A_204 = arith.constant 16 : i32
          %mul3A_205 = arith.muli %while3A_200, %mul3A_204 : i32
          %add3A_206 = vector.broadcast %mul3A_205 : i32 to vector<16xi32>
          %add3A_207 = arith.addi %add3A_206, %iota3A : vector<16xi32>
          %lt3A_208 = vector.broadcast %while3A_146 : i32 to vector<16xi32>
          %lt3A_209 = arith.cmpi slt, %add3A_207, %lt3A_208 : vector<16xi32>
          %shift_right_arithmetic3A = arith.constant 14 : i32
          %shift_right_arithmetic3A_210 = vector.broadcast %shift_right_arithmetic3A : i32 to vector<16xi32>
          %shift_right_arithmetic3A_211 = arith.shrsi %get3A_203, %shift_right_arithmetic3A_210 : vector<16xi32>
          %jit3A_212 = arith.constant 0 : i32
          %broadcast_in_dim3A = vector.broadcast %jit3A_212 : i32 to vector<16xi32>
          %select_n3A_213 = arith.select %lt3A_209, %shift_right_arithmetic3A_211, %broadcast_in_dim3A : vector<16xi1>, vector<16xi32>
          %and3A_214 = arith.constant 16383 : i32
          %and3A_215 = vector.broadcast %and3A_214 : i32 to vector<16xi32>
          %and3A_216 = arith.andi %get3A_203, %and3A_215 : vector<16xi32>
          %jit3A_217 = arith.constant 16384 : i32
          %broadcast_in_dim3A_218 = vector.broadcast %jit3A_217 : i32 to vector<16xi32>
          %select_n3A_219 = arith.select %lt3A_209, %and3A_216, %broadcast_in_dim3A_218 : vector<16xi1>, vector<16xi32>
          %parallel_loop3A_220 = arith.constant 0 : i32
          %parallel_loop3A_221 = arith.constant 64 : i32
          %parallel_loop3A_222 = arith.constant 1 : i32
          %parallel_loop3A_223 = arith.constant 1 : i32
          scf.for %parallel_loop3A_224 = %parallel_loop3A_220 to %parallel_loop3A_221 step %parallel_loop3A_222  : i32 {
            %parallel_loop3A_225 = arith.constant 1 : i32
            %parallel_loop3A_226 = vector.broadcast %parallel_loop3A_225 : i32 to vector<16xi32>
            %parallel_loop3A_227 = vector.broadcast %parallel_loop3A_224 : i32 to vector<16xi32>
            %parallel_loop3A_228 = arith.muli %parallel_loop3A_226, %parallel_loop3A_227 : vector<16xi32>
            %parallel_loop3A_229 = arith.constant 0 : i32
            %parallel_loop3A_230 = arith.constant 0 : i32
            %parallel_loop3A_231 = tpu.memref_slice %arg10[%parallel_loop3A_223, %parallel_loop3A_229, %parallel_loop3A_230] : memref<2x64x512xf32, #tpu.memory_space<vmem>> -> memref<1x64x512xf32, #tpu.memory_space<vmem>>
            %parallel_loop3A_232 = tpu.memref_squeeze %parallel_loop3A_231 : memref<1x64x512xf32, #tpu.memory_space<vmem>> -> memref<64x512xf32, #tpu.memory_space<vmem>>
            %parallel_loop3A_233 = tpu.vector_load_idx %parallel_loop3A_232[%parallel_loop3A_228, %select_n3A_213] : memref<64x512xf32, #tpu.memory_space<vmem>>[vector<16xi32>, vector<16xi32>], vector<16xf32>,
            tpu.vector_store_idx %arg11[%iota3A, %parallel_loop3A_228], %parallel_loop3A_233 : memref<16x128xf32, #tpu.memory_space<vmem>>[vector<16xi32>, vector<16xi32>], vector<16xf32>,
          } {sc.loop_unroll_factor = 8 : i64, sc.parallel_access}
          "tpu.region"() ({
            %run_scoped3A = tpu.sem_alloc : memref<!tpu.dma_semaphore, #tpu.memory_space<semaphore_mem>>
            %dma_start3A = arith.constant 0 : i32
            %dma_start3A_224 = arith.constant 0 : i32
            %dma_start3A_225 = tpu.memref_slice %arg5[%dma_start3A, %dma_start3A_224] : memref<16400x128xf32, #tpu.memory_space<hbm>> -> memref<16400x128xf32, #tpu.memory_space<hbm>>
            tpu.enqueue_indirect_dma source(%arg11 : memref<16x128xf32, #tpu.memory_space<vmem>>) target(%dma_start3A_225 : memref<16400x128xf32, #tpu.memory_space<hbm>>) offsets(%select_n3A_219 : vector<16xi32>) semaphore(%run_scoped3A : memref<!tpu.dma_semaphore, #tpu.memory_space<semaphore_mem>>)
            %dma_wait3A_226 = arith.constant 0 : i32
            %dma_wait3A_227 = arith.constant 0 : i32
            %dma_wait3A_228 = tpu.memref_slice %arg5[%dma_wait3A_226, %dma_wait3A_227] : memref<16400x128xf32, #tpu.memory_space<hbm>> -> memref<16400x128xf32, #tpu.memory_space<hbm>>
            tpu.wait_indirect_dma semaphore(%run_scoped3A : memref<!tpu.dma_semaphore, #tpu.memory_space<semaphore_mem>>) src(%arg11 : memref<16x128xf32, #tpu.memory_space<vmem>>) dst(%dma_wait3A_228 : memref<16400x128xf32, #tpu.memory_space<hbm>>)
            tpu.yield
          }) : () -> ()
        }
      } else {
      }
      %eq3A_152 = arith.constant 1 : i32
      %eq3A_153 = arith.cmpi eq, %arg0, %eq3A_152 : i32
      %convert_element_type3A_154 = arith.extui %eq3A_153 : i1 to i32
      %cond3A_155 = arith.constant 0 : i32
      %cond3A_156 = arith.cmpi ne, %convert_element_type3A_154, %cond3A_155 : i32
      scf.if %cond3A_156 {
        %add3A_162 = arith.constant 16 : i32
        %add3A_163 = arith.addi %while3A_146, %add3A_162 : i32
        %sub3A_164 = arith.constant 1 : i32
        %sub3A_165 = arith.subi %add3A_163, %sub3A_164 : i32
        %jit3A_166 = arith.constant 16 : i32
        %div3A_167 = arith.divsi %sub3A_165, %jit3A_166 : i32
        %sign3A_168 = arith.constant 0 : i32
        %sign3A_169 = arith.cmpi sgt, %sub3A_165, %sign3A_168 : i32
        %sign3A_170 = arith.extui %sign3A_169 : i1 to i32
        %sign3A_171 = arith.constant 0 : i32
        %sign3A_172 = arith.cmpi slt, %sub3A_165, %sign3A_171 : i32
        %sign3A_173 = arith.extui %sign3A_172 : i1 to i32
        %sign3A_174 = arith.subi %sign3A_170, %sign3A_173 : i32
        %sign3A_175 = arith.constant 0 : i32
        %sign3A_176 = arith.cmpi sgt, %jit3A_166, %sign3A_175 : i32
        %sign3A_177 = arith.extui %sign3A_176 : i1 to i32
        %sign3A_178 = arith.constant 0 : i32
        %sign3A_179 = arith.cmpi slt, %jit3A_166, %sign3A_178 : i32
        %sign3A_180 = arith.extui %sign3A_179 : i1 to i32
        %sign3A_181 = arith.subi %sign3A_177, %sign3A_180 : i32
        %ne3A_182 = arith.cmpi ne, %sign3A_174, %sign3A_181 : i32
        %rem3A_183 = arith.remsi %sub3A_165, %jit3A_166 : i32
        %ne3A_184 = arith.constant 0 : i32
        %ne3A_185 = arith.cmpi ne, %rem3A_183, %ne3A_184 : i32
        %and3A_186 = arith.andi %ne3A_182, %ne3A_185 : i1
        %sub3A_187 = arith.constant 1 : i32
        %sub3A_188 = arith.subi %div3A_167, %sub3A_187 : i32
        %select_n3A_189 = arith.select %and3A_186, %sub3A_188, %div3A_167 : i32
        %while3A_190 = arith.constant 0 : i32
        %while3A_191 = arith.constant 0 : i32
        %while3A_192 = arith.subi %select_n3A_189, %while3A_191 : i32
        %while3A_193 = arith.addi %while3A_191, %while3A_192 : i32
        %while3A_194 = arith.constant 1 : i32
        %while3A_195 = arith.divsi %while3A_192, %while3A_194 : i32
        %while3A_196 = arith.muli %while3A_195, %while3A_194 : i32
        %while3A_197 = arith.addi %while3A_191, %while3A_196 : i32
        %while3A_198 = arith.constant 1 : i32
        scf.for %while3A_200 = %while3A_191 to %while3A_197 step %while3A_198  : i32 {
          %mul3A_201 = arith.constant 16 : i32
          %mul3A_202 = arith.muli %while3A_200, %mul3A_201 : i32
          %get3A = arith.index_cast %mul3A_202 : i32 to index
          %get3A_203 = tpu.vector_load %arg9[%get3A] {strides = array<i32>} : memref<16400xi32, #tpu.memory_space<vmem>>, vector<16xi32>,
          %mul3A_204 = arith.constant 16 : i32
          %mul3A_205 = arith.muli %while3A_200, %mul3A_204 : i32
          %add3A_206 = vector.broadcast %mul3A_205 : i32 to vector<16xi32>
          %add3A_207 = arith.addi %add3A_206, %iota3A : vector<16xi32>
          %lt3A_208 = vector.broadcast %while3A_146 : i32 to vector<16xi32>
          %lt3A_209 = arith.cmpi slt, %add3A_207, %lt3A_208 : vector<16xi32>
          %shift_right_arithmetic3A = arith.constant 14 : i32
          %shift_right_arithmetic3A_210 = vector.broadcast %shift_right_arithmetic3A : i32 to vector<16xi32>
          %shift_right_arithmetic3A_211 = arith.shrsi %get3A_203, %shift_right_arithmetic3A_210 : vector<16xi32>
          %jit3A_212 = arith.constant 0 : i32
          %broadcast_in_dim3A = vector.broadcast %jit3A_212 : i32 to vector<16xi32>
          %select_n3A_213 = arith.select %lt3A_209, %shift_right_arithmetic3A_211, %broadcast_in_dim3A : vector<16xi1>, vector<16xi32>
          %and3A_214 = arith.constant 16383 : i32
          %and3A_215 = vector.broadcast %and3A_214 : i32 to vector<16xi32>
          %and3A_216 = arith.andi %get3A_203, %and3A_215 : vector<16xi32>
          %jit3A_217 = arith.constant 16384 : i32
          %broadcast_in_dim3A_218 = vector.broadcast %jit3A_217 : i32 to vector<16xi32>
          %select_n3A_219 = arith.select %lt3A_209, %and3A_216, %broadcast_in_dim3A_218 : vector<16xi1>, vector<16xi32>
          %parallel_loop3A_220 = arith.constant 0 : i32
          %parallel_loop3A_221 = arith.constant 64 : i32
          %parallel_loop3A_222 = arith.constant 1 : i32
          %parallel_loop3A_223 = arith.constant 1 : i32
          scf.for %parallel_loop3A_224 = %parallel_loop3A_220 to %parallel_loop3A_221 step %parallel_loop3A_222  : i32 {
            %parallel_loop3A_225 = arith.constant 1 : i32
            %parallel_loop3A_226 = vector.broadcast %parallel_loop3A_225 : i32 to vector<16xi32>
            %parallel_loop3A_227 = vector.broadcast %parallel_loop3A_224 : i32 to vector<16xi32>
            %parallel_loop3A_228 = arith.muli %parallel_loop3A_226, %parallel_loop3A_227 : vector<16xi32>
            %parallel_loop3A_229 = arith.constant 0 : i32
            %parallel_loop3A_230 = arith.constant 0 : i32
            %parallel_loop3A_231 = tpu.memref_slice %arg10[%parallel_loop3A_223, %parallel_loop3A_229, %parallel_loop3A_230] : memref<2x64x512xf32, #tpu.memory_space<vmem>> -> memref<1x64x512xf32, #tpu.memory_space<vmem>>
            %parallel_loop3A_232 = tpu.memref_squeeze %parallel_loop3A_231 : memref<1x64x512xf32, #tpu.memory_space<vmem>> -> memref<64x512xf32, #tpu.memory_space<vmem>>
            %parallel_loop3A_233 = tpu.vector_load_idx %parallel_loop3A_232[%parallel_loop3A_228, %select_n3A_213] : memref<64x512xf32, #tpu.memory_space<vmem>>[vector<16xi32>, vector<16xi32>], vector<16xf32>,
            tpu.vector_store_idx %arg11[%iota3A, %parallel_loop3A_228], %parallel_loop3A_233 : memref<16x128xf32, #tpu.memory_space<vmem>>[vector<16xi32>, vector<16xi32>], vector<16xf32>,
          } {sc.loop_unroll_factor = 8 : i64, sc.parallel_access}
          "tpu.region"() ({
            %run_scoped3A = tpu.sem_alloc : memref<!tpu.dma_semaphore, #tpu.memory_space<semaphore_mem>>
            %dma_start3A = arith.constant 0 : i32
            %dma_start3A_224 = arith.constant 0 : i32
            %dma_start3A_225 = tpu.memref_slice %arg6[%dma_start3A, %dma_start3A_224] : memref<16400x128xf32, #tpu.memory_space<hbm>> -> memref<16400x128xf32, #tpu.memory_space<hbm>>
            tpu.enqueue_indirect_dma source(%arg11 : memref<16x128xf32, #tpu.memory_space<vmem>>) target(%dma_start3A_225 : memref<16400x128xf32, #tpu.memory_space<hbm>>) offsets(%select_n3A_219 : vector<16xi32>) semaphore(%run_scoped3A : memref<!tpu.dma_semaphore, #tpu.memory_space<semaphore_mem>>)
            %dma_wait3A_226 = arith.constant 0 : i32
            %dma_wait3A_227 = arith.constant 0 : i32
            %dma_wait3A_228 = tpu.memref_slice %arg6[%dma_wait3A_226, %dma_wait3A_227] : memref<16400x128xf32, #tpu.memory_space<hbm>> -> memref<16400x128xf32, #tpu.memory_space<hbm>>
            tpu.wait_indirect_dma semaphore(%run_scoped3A : memref<!tpu.dma_semaphore, #tpu.memory_space<semaphore_mem>>) src(%arg11 : memref<16x128xf32, #tpu.memory_space<vmem>>) dst(%dma_wait3A_228 : memref<16400x128xf32, #tpu.memory_space<hbm>>)
            tpu.yield
          }) : () -> ()
        }
        %while3A_199 = arith.constant 1 : i32
        scf.for %while3A_200 = %while3A_197 to %while3A_193 step %while3A_199  : i32 {
          %mul3A_201 = arith.constant 16 : i32
          %mul3A_202 = arith.muli %while3A_200, %mul3A_201 : i32
          %get3A = arith.index_cast %mul3A_202 : i32 to index
          %get3A_203 = tpu.vector_load %arg9[%get3A] {strides = array<i32>} : memref<16400xi32, #tpu.memory_space<vmem>>, vector<16xi32>,
          %mul3A_204 = arith.constant 16 : i32
          %mul3A_205 = arith.muli %while3A_200, %mul3A_204 : i32
          %add3A_206 = vector.broadcast %mul3A_205 : i32 to vector<16xi32>
          %add3A_207 = arith.addi %add3A_206, %iota3A : vector<16xi32>
          %lt3A_208 = vector.broadcast %while3A_146 : i32 to vector<16xi32>
          %lt3A_209 = arith.cmpi slt, %add3A_207, %lt3A_208 : vector<16xi32>
          %shift_right_arithmetic3A = arith.constant 14 : i32
          %shift_right_arithmetic3A_210 = vector.broadcast %shift_right_arithmetic3A : i32 to vector<16xi32>
          %shift_right_arithmetic3A_211 = arith.shrsi %get3A_203, %shift_right_arithmetic3A_210 : vector<16xi32>
          %jit3A_212 = arith.constant 0 : i32
          %broadcast_in_dim3A = vector.broadcast %jit3A_212 : i32 to vector<16xi32>
          %select_n3A_213 = arith.select %lt3A_209, %shift_right_arithmetic3A_211, %broadcast_in_dim3A : vector<16xi1>, vector<16xi32>
          %and3A_214 = arith.constant 16383 : i32
          %and3A_215 = vector.broadcast %and3A_214 : i32 to vector<16xi32>
          %and3A_216 = arith.andi %get3A_203, %and3A_215 : vector<16xi32>
          %jit3A_217 = arith.constant 16384 : i32
          %broadcast_in_dim3A_218 = vector.broadcast %jit3A_217 : i32 to vector<16xi32>
          %select_n3A_219 = arith.select %lt3A_209, %and3A_216, %broadcast_in_dim3A_218 : vector<16xi1>, vector<16xi32>
          %parallel_loop3A_220 = arith.constant 0 : i32
          %parallel_loop3A_221 = arith.constant 64 : i32
          %parallel_loop3A_222 = arith.constant 1 : i32
          %parallel_loop3A_223 = arith.constant 1 : i32
          scf.for %parallel_loop3A_224 = %parallel_loop3A_220 to %parallel_loop3A_221 step %parallel_loop3A_222  : i32 {
            %parallel_loop3A_225 = arith.constant 1 : i32
            %parallel_loop3A_226 = vector.broadcast %parallel_loop3A_225 : i32 to vector<16xi32>
            %parallel_loop3A_227 = vector.broadcast %parallel_loop3A_224 : i32 to vector<16xi32>
            %parallel_loop3A_228 = arith.muli %parallel_loop3A_226, %parallel_loop3A_227 : vector<16xi32>
            %parallel_loop3A_229 = arith.constant 0 : i32
            %parallel_loop3A_230 = arith.constant 0 : i32
            %parallel_loop3A_231 = tpu.memref_slice %arg10[%parallel_loop3A_223, %parallel_loop3A_229, %parallel_loop3A_230] : memref<2x64x512xf32, #tpu.memory_space<vmem>> -> memref<1x64x512xf32, #tpu.memory_space<vmem>>
            %parallel_loop3A_232 = tpu.memref_squeeze %parallel_loop3A_231 : memref<1x64x512xf32, #tpu.memory_space<vmem>> -> memref<64x512xf32, #tpu.memory_space<vmem>>
            %parallel_loop3A_233 = tpu.vector_load_idx %parallel_loop3A_232[%parallel_loop3A_228, %select_n3A_213] : memref<64x512xf32, #tpu.memory_space<vmem>>[vector<16xi32>, vector<16xi32>], vector<16xf32>,
            tpu.vector_store_idx %arg11[%iota3A, %parallel_loop3A_228], %parallel_loop3A_233 : memref<16x128xf32, #tpu.memory_space<vmem>>[vector<16xi32>, vector<16xi32>], vector<16xf32>,
          } {sc.loop_unroll_factor = 8 : i64, sc.parallel_access}
          "tpu.region"() ({
            %run_scoped3A = tpu.sem_alloc : memref<!tpu.dma_semaphore, #tpu.memory_space<semaphore_mem>>
            %dma_start3A = arith.constant 0 : i32
            %dma_start3A_224 = arith.constant 0 : i32
            %dma_start3A_225 = tpu.memref_slice %arg6[%dma_start3A, %dma_start3A_224] : memref<16400x128xf32, #tpu.memory_space<hbm>> -> memref<16400x128xf32, #tpu.memory_space<hbm>>
            tpu.enqueue_indirect_dma source(%arg11 : memref<16x128xf32, #tpu.memory_space<vmem>>) target(%dma_start3A_225 : memref<16400x128xf32, #tpu.memory_space<hbm>>) offsets(%select_n3A_219 : vector<16xi32>) semaphore(%run_scoped3A : memref<!tpu.dma_semaphore, #tpu.memory_space<semaphore_mem>>)
            %dma_wait3A_226 = arith.constant 0 : i32
            %dma_wait3A_227 = arith.constant 0 : i32
            %dma_wait3A_228 = tpu.memref_slice %arg6[%dma_wait3A_226, %dma_wait3A_227] : memref<16400x128xf32, #tpu.memory_space<hbm>> -> memref<16400x128xf32, #tpu.memory_space<hbm>>
            tpu.wait_indirect_dma semaphore(%run_scoped3A : memref<!tpu.dma_semaphore, #tpu.memory_space<semaphore_mem>>) src(%arg11 : memref<16x128xf32, #tpu.memory_space<vmem>>) dst(%dma_wait3A_228 : memref<16400x128xf32, #tpu.memory_space<hbm>>)
            tpu.yield
          }) : () -> ()
        }
      } else {
      }
      %lt3A_157 = arith.constant 12 : i32
      %lt3A_158 = arith.cmpi slt, %add3A_111, %lt3A_157 : i32
      %convert_element_type3A_159 = arith.extui %lt3A_158 : i1 to i32
      %cond3A_160 = arith.constant 0 : i32
      %cond3A_161 = arith.cmpi ne, %convert_element_type3A_159, %cond3A_160 : i32
      scf.if %cond3A_161 {
        %add3A_162 = arith.constant 2 : i32
        %add3A_163 = arith.addi %add3A_111, %add3A_162 : i32
        %mul3A_164 = arith.constant 6272 : i32
        %mul3A_165 = arith.muli %arg1, %mul3A_164 : i32
        %mul3A_166 = arith.constant 512 : i32
        %mul3A_167 = arith.muli %add3A_163, %mul3A_166 : i32
        %add3A_168 = arith.addi %mul3A_165, %mul3A_167 : i32
        %min3A_169 = arith.constant 99584 : i32
        %min3A_170 = arith.minsi %add3A_168, %min3A_169 : i32
        %multiple_of3A_171 = tpu.assume_multiple %min3A_170, 128 : i32
        %eq3A_172 = arith.constant 0 : i32
        %eq3A_173 = arith.cmpi eq, %arg0, %eq3A_172 : i32
        %convert_element_type3A_174 = arith.extui %eq3A_173 : i1 to i32
        %cond3A_175 = arith.constant 0 : i32
        %cond3A_176 = arith.cmpi ne, %convert_element_type3A_174, %cond3A_175 : i32
        scf.if %cond3A_176 {
          %dma_start3A = arith.constant 1 : i32
          %dma_start3A_182 = arith.constant 0 : i32
          %dma_start3A_183 = arith.constant 0 : i32
          %dma_start3A_184 = tpu.memref_slice %arg10[%dma_start3A, %dma_start3A_182, %dma_start3A_183] : memref<2x64x512xf32, #tpu.memory_space<vmem>> -> memref<1x64x512xf32, #tpu.memory_space<vmem>>
          %dma_start3A_185 = tpu.memref_squeeze %dma_start3A_184 : memref<1x64x512xf32, #tpu.memory_space<vmem>> -> memref<64x512xf32, #tpu.memory_space<vmem>>
          %dma_start3A_186 = arith.constant 0 : i32
          %dma_start3A_187 = tpu.memref_slice %arg3[%dma_start3A_186, %multiple_of3A_171] : memref<64x100000xf32, #tpu.memory_space<hbm>> -> memref<64x512xf32, #tpu.memory_space<hbm>>
          %dma_start3A_188 = arith.constant 0 : i32
          %dma_start3A_189 = arith.constant 0 : i32
          %dma_start3A_190 = tpu.memref_slice %arg10[%dma_start3A, %dma_start3A_188, %dma_start3A_189] : memref<2x64x512xf32, #tpu.memory_space<vmem>> -> memref<1x64x512xf32, #tpu.memory_space<vmem>>
          %dma_start3A_191 = tpu.memref_squeeze %dma_start3A_190 : memref<1x64x512xf32, #tpu.memory_space<vmem>> -> memref<64x512xf32, #tpu.memory_space<vmem>>
          %dma_start3A_192 = arith.constant 0 : i32
          %dma_start3A_193 = tpu.memref_slice %arg3[%dma_start3A_192, %multiple_of3A_171] : memref<64x100000xf32, #tpu.memory_space<hbm>> -> memref<64x512xf32, #tpu.memory_space<hbm>>
          tpu.enqueue_dma source(%dma_start3A_193 : memref<64x512xf32, #tpu.memory_space<hbm>>) target(%dma_start3A_191 : memref<64x512xf32, #tpu.memory_space<vmem>>) target_semaphore(%arg13 : memref<!tpu.dma_semaphore, #tpu.memory_space<semaphore_mem>>)
        } else {
        }
        %eq3A_177 = arith.constant 1 : i32
        %eq3A_178 = arith.cmpi eq, %arg0, %eq3A_177 : i32
        %convert_element_type3A_179 = arith.extui %eq3A_178 : i1 to i32
        %cond3A_180 = arith.constant 0 : i32
        %cond3A_181 = arith.cmpi ne, %convert_element_type3A_179, %cond3A_180 : i32
        scf.if %cond3A_181 {
          %dma_start3A = arith.constant 1 : i32
          %dma_start3A_182 = arith.constant 0 : i32
          %dma_start3A_183 = arith.constant 0 : i32
          %dma_start3A_184 = tpu.memref_slice %arg10[%dma_start3A, %dma_start3A_182, %dma_start3A_183] : memref<2x64x512xf32, #tpu.memory_space<vmem>> -> memref<1x64x512xf32, #tpu.memory_space<vmem>>
          %dma_start3A_185 = tpu.memref_squeeze %dma_start3A_184 : memref<1x64x512xf32, #tpu.memory_space<vmem>> -> memref<64x512xf32, #tpu.memory_space<vmem>>
          %dma_start3A_186 = arith.constant 0 : i32
          %dma_start3A_187 = tpu.memref_slice %arg4[%dma_start3A_186, %multiple_of3A_171] : memref<64x100000xf32, #tpu.memory_space<hbm>> -> memref<64x512xf32, #tpu.memory_space<hbm>>
          %dma_start3A_188 = arith.constant 0 : i32
          %dma_start3A_189 = arith.constant 0 : i32
          %dma_start3A_190 = tpu.memref_slice %arg10[%dma_start3A, %dma_start3A_188, %dma_start3A_189] : memref<2x64x512xf32, #tpu.memory_space<vmem>> -> memref<1x64x512xf32, #tpu.memory_space<vmem>>
          %dma_start3A_191 = tpu.memref_squeeze %dma_start3A_190 : memref<1x64x512xf32, #tpu.memory_space<vmem>> -> memref<64x512xf32, #tpu.memory_space<vmem>>
          %dma_start3A_192 = arith.constant 0 : i32
          %dma_start3A_193 = tpu.memref_slice %arg4[%dma_start3A_192, %multiple_of3A_171] : memref<64x100000xf32, #tpu.memory_space<hbm>> -> memref<64x512xf32, #tpu.memory_space<hbm>>
          tpu.enqueue_dma source(%dma_start3A_193 : memref<64x512xf32, #tpu.memory_space<hbm>>) target(%dma_start3A_191 : memref<64x512xf32, #tpu.memory_space<vmem>>) target_semaphore(%arg13 : memref<!tpu.dma_semaphore, #tpu.memory_space<semaphore_mem>>)
        } else {
        }
      } else {
      }
    }
    %scan3A_55 = arith.constant 7 : i32
    return
  }
}

</mosaic_0001>

<sc_bundles>
// kernel: kernel.3.cloned.1.call-start
scs
__scs_entry_jumppad:
0x0: {  	(pc) =	sbr.rel $0x88, $3  }
0x1: {  	(tag) =	ssettag $0x0;
	lr =	simm.s32 $0x1  }
0x2: {  	[smem:$0x3F9E] =	sst lr;
	_ =	strace $0xD0000000  }
0x3: {  	_ = 	snop  }
0x4: {  	_ = 	snop  }
0x5: {  	_ = 	snop  }
0x6: {  	_ = 	snop  }
0x7: {  	_ = 	snop  }
__scs_overlays_trampoline_lowered:
0x8: {  	[smem:$0x3FAD] =	sst s0  }
0x9: {  	[smem:$0x3FAE] =	sst s1  }
0xa: {  	[smem:$0x3FAF] =	sst s2  }
0xb: {  	[smem:$0x3FB0] =	sst s3  }
0xc: {  	[smem:$0x3FB1] =	sst s4  }
0xd: {  	[smem:$0x3FB2] =	sst s5  }
0xe: {  	[smem:$0x3FB3] =	sst s6  }
0xf: {  	[smem:$0x3FB4] =	sst s7  }
0x10: {  	[smem:$0x3FB5] =	sst s8  }
0x11: {  	[smem:$0x3FB6] =	sst s9;
	s0 =	simm.s32 @!p0 $0x0  }
0x12: {  	s1 =	sld [smem:$0x3F9C];
	s0 =	simm.s32 @p0 $0x1  }
0x13: {  	[smem:$0x3FB7] =	sst s0;
	s0 =	simm.s32 @!p1 $0x0  }
0x14: {  	s2 =	sld [smem:$0x3F9B];
	s0 =	simm.s32 @p1 $0x1  }
0x15: {  	[smem:$0x3FB8] =	sst s0;
	s0 =	simm.s32 @!p2 $0x0  }
0x16: {  	s3 =	sld [smem:$0x3FDB];
	s0 =	simm.s32 @p2 $0x1  }
0x17: {  	s4 =	simm.s32 $0x1BF5;
	[smem:$0x3FBA] =	sst s0  }
0x18: {  	s0 =	sld [smem:$0x3F9D];
	_ =	swait.ge [sflag:s4], $0x0  }
0x19: {  	s7 =	sld [smem:$0x3F9E]  }
0x1a: {  	s8 =	sadd.s32 $0xFFFFE003, lr  }
0x1b: {  	s9 =	sadd.s32 $0xFFFFFEF7, lr;
	s5 =	simm.s32 $0xFFFFFFFF;
	p2 =	slt.u32 s8, $0xFFFFF086  }
0x1c: {  	p1 =	slt.u32 s9, $0xF7A;
	s5 =	simm.s32 @!p2 $0x0  }
0x1d: {  	s5 =	simm.s32 @p1 $0x1;
	p0 =	seq.s32 s7, s2  }
0x1e: {  	s7 =	smul.u32 @!p0 $0xF7A, s2;
	p2 =	seq.s32 @!p0 s5, $0x0  }
0x1f: {  	s9 =	smul.u32 $0xF7A, s1;
	s8 =	simm.s32 @!p0 $0x1BF5;
	p2 =	por !p2, p0  }
0x20: {  	[sflag:s8] =	ssyncset.s32 @!p0 $0xFFFFF086;
	s6 =	sadd.s32 @!p0 s3, s7;
	s7 =	simm.s32 @!p0 $0x108  }
0x21: {  	s3 =	sadd.s32 s3, s9;
	s6 =	sadd.s32 @!p0 $0x88, s6;
	s7 =	simm.s32 @p2 $0x1082  }
0x22: {  	[simem:s7], [sflag:s8] =	dma.local @!p0 [hbm:s6], $0xF7A  }
0x23: {  	s9 =	sor.u32 $0xD0000000, s2;
	s6 =	simm.s32 $0x108;
	_ =	swait.ge @!p0 [sflag:s8], $0x0  }
0x24: {  	s3 =	sadd.s32 $0x88, s3;
	s6 =	simm.s32 @!p1 $0x1082;
	[sflag:s4] =	ssyncset.s32 $0xFFFFF086  }
0x25: {  	[simem:s6], [sflag:s4] =	dma.local [hbm:s3], $0xF7A  }
0x26: {  	[smem:$0x3F9E] =	sst s1;
	(tag) =	ssettag s2;
	_ =	strace s9  }
0x27: {  	s1 =	sld [smem:$0x3FAE]  }
0x28: {  	s2 =	sld [smem:$0x3FAF]  }
0x29: {  	s4 =	sld [smem:$0x3FB1]  }
0x2a: {  	p0 =	seq.s32 s5, $0x0;
	s5 =	sld [smem:$0x3FB2]  }
0x2b: {  	s6 =	sld [smem:$0x3FB3]  }
0x2c: {  	s7 =	sld [smem:$0x3FB4]  }
0x2d: {  	s3 =	simm.s32 $0x108;
	s8 =	sld [smem:$0x3FB5]  }
0x2e: {  	s3 =	simm.s32 @!p0 $0x1082;
	s9 =	sld [smem:$0x3FB6]  }
0x2f: {  	lr =	sadd.s32 s0, s3;
	s0 =	sld [smem:$0x3FAD]  }
0x30: {  	s3 =	sld [smem:$0x3FB0]  }
0x31: {  	[smem:$0x3FB9] =	sst s10  }
0x32: {  	s10 =	sld [smem:$0x3FB7];
	_ =	sdelay $0x3  }
0x33: {  	p0 =	seq.s32 s10, $0x1;
	s10 =	sld [smem:$0x3FB9];
	_ =	sdelay $0x3  }
0x34: {  	[smem:$0x3FB9] =	sst s10  }
0x35: {  	s10 =	sld [smem:$0x3FB8];
	_ =	sdelay $0x3  }
0x36: {  	p1 =	seq.s32 s10, $0x1;
	s10 =	sld [smem:$0x3FB9];
	_ =	sdelay $0x3  }
0x37: {  	[smem:$0x3FB9] =	sst s10  }
0x38: {  	s10 =	sld [smem:$0x3FBA]  }
0x39: {  	_ = 	snop;
	(pc) =	sbr.ind lr, $3  }
0x3a: {  	_ = 	snop  }
0x3b: {  	_ = 	snop  }
0x3c: {  	p2 =	seq.s32 s10, $0x1;
	s10 =	sld [smem:$0x3FB9]  }
0x3d: {  	_ =	shalt  }
0x3e: {  	_ =	shalt  }
0x3f: {  	_ =	shalt  }
0x40: {  	_ =	shalt  }
0x41: {  	_ =	shalt  }
0x42: {  	_ =	shalt  }
0x43: {  	_ =	shalt  }
0x44: {  	_ =	shalt  }
0x45: {  	_ =	shalt  }
0x46: {  	_ =	shalt  }
0x47: {  	_ =	shalt  }
0x48: {  	_ =	shalt  }
0x49: {  	_ =	shalt  }
0x4a: {  	_ =	shalt  }
0x4b: {  	_ =	shalt  }
0x4c: {  	_ =	shalt  }
0x4d: {  	_ =	shalt  }
0x4e: {  	_ =	shalt  }
0x4f: {  	_ =	shalt  }
0x50: {  	_ =	shalt  }
0x51: {  	_ =	shalt  }
0x52: {  	_ =	shalt  }
0x53: {  	_ =	shalt  }
0x54: {  	_ =	shalt  }
0x55: {  	_ =	shalt  }
0x56: {  	_ =	shalt  }
0x57: {  	_ =	shalt  }
0x58: {  	_ =	shalt  }
0x59: {  	_ =	shalt  }
0x5a: {  	_ =	shalt  }
0x5b: {  	_ =	shalt  }
0x5c: {  	_ =	shalt  }
0x5d: {  	_ =	shalt  }
0x5e: {  	_ =	shalt  }
0x5f: {  	_ =	shalt  }
0x60: {  	_ =	shalt  }
0x61: {  	_ =	shalt  }
0x62: {  	_ =	shalt  }
0x63: {  	_ =	shalt  }
0x64: {  	_ =	shalt  }
0x65: {  	_ =	shalt  }
0x66: {  	_ =	shalt  }
0x67: {  	_ =	shalt  }
0x68: {  	_ =	shalt  }
0x69: {  	_ =	shalt  }
0x6a: {  	_ =	shalt  }
0x6b: {  	_ =	shalt  }
0x6c: {  	_ =	shalt  }
0x6d: {  	_ =	shalt  }
0x6e: {  	_ =	shalt  }
0x6f: {  	_ =	shalt  }
0x70: {  	_ =	shalt  }
0x71: {  	_ =	shalt  }
0x72: {  	_ =	shalt  }
0x73: {  	_ =	shalt  }
0x74: {  	_ =	shalt  }
0x75: {  	_ =	shalt  }
0x76: {  	_ =	shalt  }
0x77: {  	_ =	shalt  }
0x78: {  	_ =	shalt  }
0x79: {  	_ =	shalt  }
0x7a: {  	_ =	shalt  }
0x7b: {  	_ =	shalt  }
0x7c: {  	_ =	shalt  }
0x7d: {  	_ =	shalt  }
0x7e: {  	_ =	shalt  }
0x7f: {  	_ =	shalt  }
0x80: {  	_ =	shalt  }
0x81: {  	_ =	shalt  }
0x82: {  	_ =	shalt  }
0x83: {  	_ =	shalt  }
0x84: {  	_ =	shalt  }
0x85: {  	_ =	shalt  }
0x86: {  	_ =	shalt  }
0x87: {  	_ =	shalt  }
.Lfunc_end0:
.L_simem_size_0:
called_computation_lowered:
.L_overlay_start_0:
0x88: {  	s2 =	sld [smem:$0x3FD9]  }
0x89: {  	s3 =	sld [smem:$0x3FFE];
	_ =	sdelay $0x1  }
0x8a: {  	s1 =	srdreg.scid  }
0x8b: {  	s0 =	sand.u32 $0x1, s1  }
0x8c: {  	s17 =	sshll.u32 s0, $0xA;
	s2 =	sadd.s32 s3, s2  }
0x8d: {  	s2 =	sadd.s32 s2, s17  }
0x8e: {  	[smem:$0x3FC5] =	sst s2  }
0x8f: {  	_ = 	snop  }
0x90: {  	s2 =	sld [smem:$0x3FC9]  }
0x91: {  	s18 =	sld [smem:$0x3FC8]  }
0x92: {  	s4 =	sld [smem:$0x3FC7];
	(tm) =	ssettm $0x1  }
0x93: {  	s5 =	sld [smem:$0x3FFB];
	_ =	sdelay $0x3  }
0x94: {  	_ =	strace s5  }
0x95: {  	s5 =	sld [smem:$0x3FFC];
	_ =	sdelay $0x3  }
0x96: {  	_ =	strace s5  }
0x97: {  	s5 =	sld [smem:$0x3FFD];
	_ =	sdelay $0x3  }
0x98: {  	_ =	strace s5  }
0x99: {  	_ =	strace $0x8FFFFFFF  }
0x9a: {  	s19 =	sld [smem:$0x3FDB];
	_ =	sdelay $0x1  }
0x9b: {  	s6 =	simm.s32 $_scs_section_size  }
0x9c: {  	s7 =	simm.s32 $_size__tile_overlayer_lowered;
	s8 =	simm.s32 $_tile_overlayer_lowered  }
0x9d: {  	s22 =	simm.s32 $0x1BFF;
	s21 =	sshll.u32 s8, $0x1;
	s5 =	sadd.s32 s6, s19  }
0x9e: {  	s9 =	simm.s32 $0x0;
	s20 =	sshll.u32 s7, $0x1;
	s7 =	sadd.s32 s21, s5  }
0x9f: {  	[timem:s9], [sflag:s22] =	dma.local [hbm:s7], s20  }
0xa0: {  	_ =	swait.ge [sflag:s22], s20  }
0xa1: {  	s6 =	ssub.s32 $0x0, s20;
	[sflag:s22] =	ssyncset.done $0x0  }
0xa2: {  	[sflag:s22] =	ssyncadd.s32 s6;
	_ =	sdelay $0x1  }
0xa3: {  	s23 =	simm.s32 $0x1B8B  }
0xa4: {  	_ =	swait.ge [sflag:s23], $0x1  }
0xa5: {  	[sflag:s23] =	ssyncset.done $0x0  }
0xa6: {  	s25 =	simm.s32 $0x1B8E;
	s24 =	sld [smem:$0x3FFE];
	[sflag:s23] =	ssyncadd.s32 $0xFFFFFFFF  }
0xa7: {  	s26 =	simm.s32 $execute0_lowered;
	[smem:$0x3FD2] =	sst s25  }
0xa8: {  	s7 =	sshll.u32 s26, $0x1;
	_ =	strace $0x80000046;
	[dreg:$0x1] =	wrdreg $0xFFFFFFFF  }
0xa9: {  	s28 =	simm.s32 $_size_execute0_lowered;
	s5 =	sadd.s32 s5, s7;
	[dreg:$0x0] =	wrdreg $0x0  }
0xaa: {  	s7 =	sshll.u32 s28, $0x1;
	[dreg:$0x2] =	wrdreg s5  }
0xab: {  	[dreg:$0x3] =	wrdreg s7  }
0xac: {  	[dreg:$0x4] =	wrdreg $0xC0  }
0xad: {  	_ =	task [dreg:s9], $0x5FFFF  }
0xae: {  	[dreg:$0x1] =	wrdreg $0xFFFFFFFF  }
0xaf: {  	[dreg:$0x0] =	wrdreg $0x60  }
0xb0: {  	[dreg:$0x2] =	wrdreg s2  }
0xb1: {  	[dreg:$0x3] =	wrdreg s18  }
0xb2: {  	[dreg:$0x4] =	wrdreg s4  }
0xb3: {  	[dreg:$0x5] =	wrdreg s24  }
0xb4: {  	[dreg:$0x6] =	wrdreg $0x9  }
0xb5: {  	_ =	task.clear_ibuf [dreg:s9], $0x7FFFF;
	_ =	strace $0x90000046  }
0xb6: {  	s29 =	simm.s32 $0x9;
	_ =	strace $0x80000048  }
0xb7: {  	_ =	swait.ge [sflag:s29], $0x1  }
0xb8: {  	[sflag:s29] =	ssyncadd.s32 $0xFFFFFFFF  }
0xb9: {  	_ =	strace $0x90000048  }
0xba: {  	_ =	sfence  }
0xbb: {  	s30 =	sld [smem:$0x0];
	_ =	sdelay $0x2  }
0xbc: {  	s31 =	sshll.u32 s1, $0xD;
	s1 =	sshrl.u32 s1, $0x2  }
0xbd: {  	s3 =	sand.u32 $0x4000, s31;
	s1 =	sadd.s32 s1, s30  }
0xbe: {  	s0 =	sor.u32 s3, s0;
	s1 =	sshll.u32 s1, $0x11  }
0xbf: {  	s0 =	sor.u32 s1, s0  }
0xc0: {  	s0 =	sadd.s32 $0x8F2B, s0  }
0xc1: {  	[sflag:s0] =	ssyncadd.remote.s32 $0x1  }
0xc2: {  	_ =	sfence.sel $0xFFFF  }
0xc3: {  	[dreg:$0x0] =	wrdreg $0xFFFFFFFF;
	(pc) =	sbr.abs _section_cstart, $3  }
0xc4: {  	[dreg:$0x1] =	wrdreg $0xFFFFFFFF  }
0xc5: {  	_ =	task.clear_ibuf [dreg:s9], $0x2FFFF;
	_ =	strace $0x9FFFFFFF  }
0xc6: {  	(tm) =	ssettm $0x7FFFFFFF  }
0xc7: {  	_ =	shalt  }
tec
execute0_lowered:
.L_overlay_start_1:
0x0: {  	(tag) =	ssettag $0x1  }
0x1: {  	s0 =	rddreg [dreg:$0x0]  }
0x2: {  	s2 =	rddreg [dreg:$0x1]  }
0x3: {  	s10 =	rddreg [dreg:$0x2]  }
0x4: {  	s1 =	rddreg [dreg:$0x3];
	s3 =	simm.s32 $0x0  }
0x5: {  	s4 =	srdreg.scid;
	s12 =	stileid.u32;
	s16 =	simm.s32 $0x3  }
0x6: {  	s17 =	simm.s32 $0x1000;
	s18 =	simm.s32 $0xC3800;
	s19 =	simm.s32 $0xC100  }
0x7: {  	s20 =	simm.s32 $0x14100;
	s21 =	simm.s32 $0x1;
	s22 =	simm.s32 $0x1C100  }
0x8: {  	[smem:$0x7FF] =	sst s3;
	s5 =	sadd.s32 $0x1400, s1;
	s4 =	sand.u32 $0x1, s4  }
0x9: {  	s6 =	sadd.s32 $0x41600, s1;
	s7 =	smul.u32 $0x1880, s12;
	s11 =	smov.u32 s10  }
0xa: {  	_ =	strace $0x80000047;
	s26 =	ssub.s32 $0x2, s4;
	s28 =	sshll.u32 s4, $0x4  }
0xb: {  	p0 =	seq.s32 s4, $0x0;
	s8 =	sshrl.u32 s26, $0x1;
	s0 =	sadd.s32 s0, s28  }
0xc: {  	s10 =	smov.u32 @p0 s2;
	s29 =	sadd.s32 $0x400, s7;
	[dreg:$0x5] =	wrdreg s0  }
.Ltmp0:
0xd: {  	s31 =	sadd.s32 $0x600, s7;
	[dreg:$0x6] =	wrdreg s29;
	(pc) =	sbr.rel .LBB2_1-.Ltmp0, $4  }
0xe: {  	s1 =	ssub.s32 s26, s8;
	s30 =	sadd.s32 s10, s7;
	[dreg:$0x8] =	wrdreg s31  }
0xf: {  	s23 =	simm.s32 $0x2;
	s1 =	smax.u32 s1, $0x1;
	[dreg:$0x7] =	wrdreg s30  }
0x10: {  	v1 =	vlaneseq.u32;
	vm0 =	vmmov $0xffff;
	s9 =	smov.u32 s2;
	s0 =	sadd.s32 $0x200, s30;
	[dreg:$0x9] =	wrdreg s1  }
0x11: {  	v0 =	vmov s12;
	v3 =	vmul.u32 $0x80, v1;
	p0 =	sne.s32 s4, $0x0;
	v2 =	vmov s7;
	[dreg:$0xa] =	wrdreg s0;
	s1 =	simm.s32 $0x0  }
.LBB2_50:
0x12: {  	s1 =	rddreg [dreg:$0xb]  }
0x13: {  	s0 =	rddreg [dreg:$0x9];
	s1 =	sadd.s32 $0x1, s1  }
0x14: {  	p1 =	sne.s32 s1, s0  }
.Ltmp1:
0x15: {  	_ = 	snop;
	(pc) =	sbr.rel @!p1 .LBB2_51-.Ltmp1, $1  }
0x16: {  	_ =	sdelay $0x3  }
.LBB2_1:
0x17: {  	[dreg:$0xb] =	wrdreg s1  }
0x18: {  	s0 =	rddreg [dreg:$0x5];
	s24 =	simm.s32 $0x80;
	s2 =	simm.s32 $0x100  }
0x19: {  	[tilespmem:s3], [sflag:$0x3] =	stream.strided.gather [hbm4b:s0+s24], $0x4000, s2, s24, $0x38;
	[tilespmem:$0x1C900] =	vst v63  }
0x1a: {  	_ =	swait.ge [sflag:s16], $0x4000  }
0x1b: {  	[sflag:s16] =	ssyncset.done $0x0  }
0x1c: {  	s25 =	rddreg [dreg:$0x7];
	[sflag:s16] =	ssyncadd.s32 $0xFFFFC000  }
0x1d: {  	[tilespmem:s19], [sflag:$0x1] =	stream.strided.gather [hbm4b:s25+s17], $0x8000, s18, s17, $0x38;
	[tilespmem:$0x1C900] =	vst v63  }
0x1e: {  	s28 =	simm.s32 $0x20;
	s26 =	rddreg [dreg:$0xa]  }
0x1f: {  	[tilespmem:s20], [sflag:$0x2] =	stream.strided.gather [hbm4b:s26+s17], $0x8000, s18, s17, $0x38;
	[tilespmem:$0x1C900] =	vst v63  }
0x20: {  	v4 =	vld [tilespmem:s28+$0xFFFFFFE0]  }
0x21: {  	v5 =	vld [tilespmem:s28+$0xFFFFFFF0]  }
0x22: {  	v6 =	vld [tilespmem:s28+$0x0]  }
0x23: {  	v7 =	vld [tilespmem:s28+$0x10];
	_ =	sdelay $0x1  }
0x24: {  	v8 =	vshra.s32 v4, $0x7  }
0x25: {  	v9 =	vshra.s32 v5, $0x7;
	v8 =	vmul.u32 $0xA73, v8  }
0x26: {  	v10 =	vshra.s32 v6, $0x7;
	v9 =	vmul.u32 $0xA73, v9  }
0x27: {  	v11 =	vshra.s32 v7, $0x7;
	v10 =	vmul.u32 $0xA73, v10;
	v8 =	vshra.s32 v8, $0x11  }
0x28: {  	vm5 =	veq.s32 v8, v0;
	v8 =	vshra.s32 v9, $0x11;
	v9 =	vmul.u32 $0xA73, v11  }
0x29: {  	v4 =	vshll.u32 v4, $0xE;
	vm1 =	veq.s32 v8, v0;
	v8 =	vshra.s32 v10, $0x11  }
0x2a: {  	s29 =	simm.s32 $0x60;
	v11 =	vmpcnt.ones.xlane vm5;
	vm2 =	veq.s32 v8, v0;
	v8 =	vshra.s32 v9, $0x11  }
0x2b: {  	v5 =	vshll.u32 v5, $0xE;
	v10 =	vmpcnt.ones.xlane vm1;
	vm3 =	veq.s32 v8, v0;
	v8 =	vld [tilespmem:s29+$0xFFFFFFE0]  }
0x2c: {  	v6 =	vshll.u32 v6, $0xE;
	v9 =	vmpcnt.ones.xlane vm2;
	(v2sf) =	vpush v11, $0x0  }
0x2d: {  	s30 =	simm.s32 $0x10;
	v7 =	vshll.u32 v7, $0xE;
	v11 =	vmpcnt.ones.xlane vm3;
	(v2sf) =	vpush v10, $0x0;
	v10 =	vld [tilespmem:s29+$0xFFFFFFF0]  }
0x2e: {  	s4 =	simm.s32 $0x20;
	s31 =	simm.s32 $0x30;
	v12 =	vld [tilespmem:s29+$0x0];
	v4 =	vadd.s32 s3, v4;
	v5 =	vadd.s32 s30, v5;
	(v2sf) =	vpush v9, $0x0  }
0x2f: {  	v6 =	vadd.s32 s4, v6;
	v9 =	vadd.s32 s31, v7;
	(v2sf) =	vpush v11, $0x0  }
0x30: {  	v7 =	vld [tilespmem:s29+$0x10];
	v11 =	vadd.s32 v1, v4;
	v4 =	vadd.s32 v1, v9;
	v9 =	vshra.s32 v8, $0x7  }
0x31: {  	v5 =	vadd.s32 v1, v5;
	vm4 =	vmmov vm1;
	v13 =	vmul.u32 $0xA73, v9  }
0x32: {  	vm1 =	vmmov vm3;
	v14 =	vshra.s32 v10, $0x7;
	v9 =	vshll.u32 v10, $0xE  }
0x33: {  	v10 =	vshra.s32 v12, $0x7;
	v14 =	vmul.u32 $0xA73, v14;
	v13 =	vshra.s32 v13, $0x11  }
0x34: {  	v15 =	vmul.u32 $0xA73, v10;
	v10 =	vshll.u32 v12, $0xE;
	vm3 =	veq.s32 v13, v0  }
0x35: {  	v13 =	vshra.s32 v7, $0x7;
	v12 =	vshra.s32 v14, $0x11;
	v14 =	vmpcnt.ones.xlane vm3  }
0x36: {  	v6 =	vadd.s32 v1, v6;
	vm2 =	vmmov vm2;
	v13 =	vmul.u32 $0xA73, v13  }
0x37: {  	vm6 =	veq.s32 v12, v0;
	v12 =	vshra.s32 v15, $0x11;
	(v2sf) =	vpush v14, $0x0  }
0x38: {  	s8 =	simm.s32 $0xA0;
	vm7 =	veq.s32 v12, v0;
	v12 =	vmpcnt.ones.xlane vm6;
	v13 =	vshra.s32 v13, $0x11  }
0x39: {  	s1 =	simm.s32 $0x0;
	s0 =	simm.s32 $0x40;
	s4 =	simm.s32 $0x4;
	[tilespmem:s3+$0x4000] =	vst.msk vm5, v11;
	v8 =	vshll.u32 v8, $0xE;
	v11 =	vmpcnt.ones.xlane vm7;
	vm5 =	veq.s32 v13, v0  }
.LBB2_2:
0x3a: {  	v13 =	vld [tilespmem:s8+$0xFFFFFFE0];
	s4 =	sadd.s32 $0x4, s4;
	s10 =	sadd.s32 $0x10, s0;
	s12 =	sadd.s32 $0x20, s0;
	v7 =	vshll.u32 v7, $0xE;
	v14 =	vmpcnt.ones.xlane vm5;
	(v2sf) =	vpush v12, $0x0  }
0x3b: {  	v8 =	vadd.s32 s0, v8;
	v12 =	vld [tilespmem:s8+$0xFFFFFFF0];
	p1 =	slt.u32 s4, $0x3FC;
	v9 =	vadd.s32 s10, v9;
	s10 =	sadd.s32 $0x30, s0;
	(v2sf) =	vpush v11, $0x0;
	s13 =	spop (v2sf)  }
0x3c: {  	v10 =	vadd.s32 s12, v10;
	v11 =	vld [tilespmem:s8+$0x0];
	v15 =	vadd.s32 s10, v7;
	(v2sf) =	vpush v14, $0x0;
	s1 =	sadd.s32 s1, s13;
	s10 =	spop (v2sf)  }
0x3d: {  	v14 =	vadd.s32 v1, v8;
	v8 =	vadd.s32 v1, v10;
	v7 =	vld [tilespmem:s8+$0x10];
	[tilespmem:s1+$0x4000] =	vst.msk vm4, v5;
	v5 =	vadd.s32 v1, v9;
	s1 =	sadd.s32 s1, s10;
	s10 =	spop (v2sf)  }
0x3e: {  	v9 =	vadd.s32 v1, v15;
	vm4 =	vmmov vm6;
	[tilespmem:s1+$0x4000] =	vst.msk vm2, v6;
	s1 =	sadd.s32 s1, s10;
	s10 =	spop (v2sf);
	v6 =	vmovc v8;
	vm2 =	vmmov vm7  }
0x3f: {  	v10 =	vshra.s32 v13, $0x7;
	v8 =	vshll.u32 v13, $0xE;
	[tilespmem:s1+$0x4000] =	vst.msk vm1, v4;
	s1 =	sadd.s32 s1, s10;
	v4 =	vmovc v9;
	vm1 =	vmmov vm5  }
0x40: {  	v13 =	vmul.u32 $0xA73, v10;
	v10 =	vshra.s32 v12, $0x7;
	v9 =	vshll.u32 v12, $0xE;
	[tilespmem:s1+$0x4000] =	vst.msk vm3, v14  }
0x41: {  	v12 =	vmul.u32 $0xA73, v10;
	v14 =	vshra.s32 v11, $0x7;
	v10 =	vshll.u32 v11, $0xE  }
.Ltmp2:
0x42: {  	v11 =	vshra.s32 v13, $0x11;
	v13 =	vmul.u32 $0xA73, v14;
	v14 =	vshra.s32 v7, $0x7;
	(pc) =	sbr.rel @p1 .LBB2_2-.Ltmp2, $4  }
0x43: {  	vm3 =	veq.s32 v11, v0;
	v11 =	vshra.s32 v12, $0x11;
	v14 =	vmul.u32 $0xA73, v14  }
0x44: {  	v15 =	vmpcnt.ones.xlane vm3;
	vm6 =	veq.s32 v11, v0;
	v11 =	vshra.s32 v13, $0x11  }
0x45: {  	v12 =	vmpcnt.ones.xlane vm6;
	vm7 =	veq.s32 v11, v0;
	v13 =	vshra.s32 v14, $0x11  }
0x46: {  	s0 =	sadd.s32 $0x40, s0;
	s8 =	sadd.s32 $0x40, s8;
	v11 =	vmpcnt.ones.xlane vm7;
	vm5 =	veq.s32 v13, v0;
	(v2sf) =	vpush v15, $0x0  }
0x47: {  	v13 =	vmpcnt.ones.xlane vm5;
	(v2sf) =	vpush v12, $0x0  }
0x48: {  	(v2sf) =	vpush v11, $0x0  }
0x49: {  	(v2sf) =	vpush v13, $0x0;
	_ =	sdelay $0x7  }
0x4a: {  	s4 =	spop (v2sf)  }
0x4b: {  	s1 =	sadd.s32 s1, s4;
	s26 =	spop (v2sf)  }
0x4c: {  	s4 =	sadd.s32 s1, s26;
	s8 =	spop (v2sf)  }
0x4d: {  	s8 =	sadd.s32 s4, s8;
	s10 =	spop (v2sf)  }
0x4e: {  	s10 =	sadd.s32 s8, s10;
	s12 =	spop (v2sf)  }
0x4f: {  	s12 =	sadd.s32 s10, s12;
	s13 =	spop (v2sf)  }
0x50: {  	s13 =	sadd.s32 s12, s13;
	s14 =	spop (v2sf)  }
0x51: {  	s14 =	sadd.s32 s13, s14;
	s15 =	spop (v2sf)  }
0x52: {  	s15 =	sadd.s32 s14, s15  }
0x53: {  	s25 =	sadd.s32 $0x10, s0;
	s24 =	sadd.s32 $0xF, s15  }
0x54: {  	s30 =	sadd.s32 $0x30, s0;
	[tilespmem:s1+$0x4000] =	vst.msk vm4, v5;
	s26 =	sadd.s32 $0x20, s0;
	s28 =	sand.u32 $0xF, s24  }
0x55: {  	v5 =	vadd.s32 s0, v8;
	[tilespmem:s4+$0x4000] =	vst.msk vm2, v6;
	s29 =	sshra.s32 s24, $0x1F;
	p2 =	slt.s32 s24, $0x1;
	p1 =	sne.s32 s28, $0x0  }
.Ltmp3:
0x56: {  	v6 =	vadd.s32 s25, v9;
	v63 =	vadd.s32 s26, v10;
	[tilespmem:s8+$0x4000] =	vst.msk vm1, v4;
	v4 =	vadd.s32 v1, v5;
	s1 =	sshrl.u32 s29, $0x1C;
	p1 =	por !p2, !p1;
	(pc) =	sbr.rel .LBB2_4-.Ltmp3, $4  }
0x57: {  	s4 =	simm.s32 $0x1;
	v5 =	vadd.s32 v1, v6;
	vm1 =	vmmov vm6;
	[tilespmem:s10+$0x4000] =	vst.msk vm3, v4;
	v4 =	vshll.u32 v7, $0xE;
	s1 =	sadd.s32 s1, s24;
	p1 =	por !p1, !p1  }
0x58: {  	v4 =	vadd.s32 s30, v4;
	[tilespmem:s12+$0x4000] =	vst.msk vm1, v5;
	v5 =	vadd.s32 v1, v63;
	vm1 =	vmmov vm7;
	s31 =	sshra.s32 s1, $0x4;
	s4 =	simm.s32 @!p1 $0x0  }
0x59: {  	v4 =	vadd.s32 v1, v4;
	[tilespmem:s13+$0x4000] =	vst.msk vm1, v5;
	vm1 =	vmmov vm5;
	s25 =	ssub.s32 s31, s4  }
0x5a: {  	s26 =	simm.s32 $0x0;
	[tilespmem:s14+$0x4000] =	vst.msk vm1, v4;
	v4 =	vmov s15;
	p1 =	slt.s32 s25, $0x1  }
.LBB2_48:
0x5b: {  	s1 =	rddreg [dreg:$0x8]  }
0x5c: {  	s1 =	sadd.s32 s28, s1  }
0x5d: {  	s1 =	smin.u32 s1, $0x18500  }
0x5e: {  	s0 =	sadd.s32 s0, s1  }
0x5f: {  	[tilespmem:s20], [sflag:$0x2] =	stream.strided.gather [hbm4b:s0+s17], $0x8000, s18, s17, $0x38;
	[tilespmem:$0x1C900] =	vst v63  }
.LBB2_49:
0x60: {  	s26 =	sadd.s32 $0x1, s26  }
0x61: {  	p2 =	sne.s32 s26, $0x7  }
.Ltmp4:
0x62: {  	_ = 	snop;
	(pc) =	sbr.rel @!p2 .LBB2_50-.Ltmp4, $1  }
0x63: {  	_ =	sdelay $0x3  }
.LBB2_4:
.Ltmp5:
0x64: {  	(pc) =	sbr.rel @p1 .LBB2_12-.Ltmp5, $4  }
0x65: {  	_ = 	snop  }
0x66: {  	_ =	swait.ge [sflag:s21], $0x8000  }
0x67: {  	s29 =	sshll.u32 s26, $0x1;
	[sflag:s21] =	ssyncset.done $0x0  }
0x68: {  	s28 =	sshll.u32 s26, $0xA;
	s0 =	simm.s32 $0x0;
	[sflag:s21] =	ssyncadd.s32 $0xFFFF8000  }
0x69: {  	s0 =	simm.s32 $0x4000  }
0x6a: {  	v7 =	vld [tilespmem:s0+$0x0];
	_ =	sdelay $0x4  }
0x6b: {  	v8 =	vshra.s32 v7, $0xE  }
0x6c: {  	s0 =	simm.s32 $0x0;
	v6 =	vsub.s32 v8, v2  }
0x6d: {  	s1 =	sadd.s32 s7, s28;
	v5 =	vmov s29;
	p3 =	sne.s32 s25, $0x1;
	v9 =	vor.u32 s0, v1;
	v6 =	vshra.s32 v6, $0x9  }
.Ltmp6:
0x6e: {  	s1 =	smin.u32 s1, $0x18500;
	vm1 =	vlt.s32 v9, v4;
	vm2 =	veq.s32 v6, v5;
	(pc) =	sbr.rel @!p3 .LBB2_6-.Ltmp6, $4  }
0x6f: {  	v6 =	vmov s1;
	vm1 =	vmand vm1, vm2  }
0x70: {  	v8 =	vsub.s32 v8, v6;
	v63 =	vmpcnt.ones.xlane vm1  }
0x71: {  	v7 =	vand.u32 $0x3FFF, v7;
	v8 =	vshll.u32 v8, $0xE  }
0x72: {  	s8 =	sadd.s32 $0xFFFFFFFF, s25;
	p2 =	por $0x0, $0x0;
	v7 =	vor.u32 v7, v8;
	(v2sf) =	vpush v63, $0x0  }
0x73: {  	_ = 	snop  }
0x74: {  	[tilespmem:s0+$0x8080] =	vst.msk vm1, v7;
	s1 =	simm.s32 $0x4010  }
0x75: {  	v7 =	vld [tilespmem:s1+$0x0];
	_ =	sdelay $0x4  }
0x76: {  	v8 =	vshra.s32 v7, $0xE  }
0x77: {  	s4 =	simm.s32 $0x10;
	v9 =	vsub.s32 v8, v2  }
0x78: {  	p3 =	sne.s32 s8, $0x1;
	v10 =	vor.u32 s4, v1;
	v9 =	vshra.s32 v9, $0x9  }
.Ltmp7:
0x79: {  	vm1 =	vlt.s32 v10, v4;
	vm2 =	veq.s32 v9, v5;
	(pc) =	sbr.rel @!p3 .LBB2_8-.Ltmp7, $4  }
0x7a: {  	vm1 =	vmand vm1, vm2  }
0x7b: {  	v8 =	vsub.s32 v8, v6;
	v63 =	vmpcnt.ones.xlane vm1  }
0x7c: {  	s10 =	sadd.s32 $0xFFFFFFFF, s8;
	v7 =	vand.u32 $0x3FFF, v7;
	v8 =	vshll.u32 v8, $0xE  }
0x7d: {  	p2 =	por $0x1, $0x1;
	s8 =	simm.s32 $0x0;
	v7 =	vor.u32 v7, v8;
	(v2sf) =	vpush v63, $0x0;
	s12 =	spop (v2sf)  }
.LBB2_9:
0x7e: {  	p3 =	sne.s32 s10, $0x1;
	s10 =	sadd.s32 $0xFFFFFFFF, s10;
	s8 =	sadd.s32 s8, s12  }
0x7f: {  	s1 =	sadd.s32 $0x10, s1;
	[tilespmem:s8+$0x8080] =	vst.msk vm1, v7  }
0x80: {  	v7 =	vld [tilespmem:s1+$0x0];
	_ =	sdelay $0x4  }
0x81: {  	s4 =	sadd.s32 $0x10, s4;
	v8 =	vshra.s32 v7, $0xE  }
0x82: {  	v9 =	vor.u32 s4, v1;
	v10 =	vsub.s32 v8, v2;
	v8 =	vsub.s32 v8, v6  }
0x83: {  	v7 =	vand.u32 $0x3FFF, v7;
	v10 =	vshra.s32 v10, $0x9;
	v8 =	vshll.u32 v8, $0xE  }
.Ltmp8:
0x84: {  	vm1 =	vlt.s32 v9, v4;
	vm2 =	veq.s32 v10, v5;
	v7 =	vor.u32 v7, v8;
	(pc) =	sbr.rel @p3 .LBB2_9-.Ltmp8, $3  }
0x85: {  	vm1 =	vmand vm1, vm2  }
0x86: {  	v8 =	vmpcnt.ones.xlane vm1;
	_ =	sdelay $0x1  }
0x87: {  	(v2sf) =	vpush v8, $0x0;
	s12 =	spop (v2sf)  }
0x88: {  	_ = 	snop  }
.LBB2_11:
0x89: {  	s1 =	sadd.s32 @p2 s8, s12  }
0x8a: {  	s31 =	spop (v2sf);
	s0 =	smov.u32 @p2 s1  }
0x8b: {  	[tilespmem:s0+$0x8080] =	vst.msk vm1, v7;
	s0 =	sadd.s32 s0, s31  }
.LBB2_12:
0x8c: {  	s1 =	sadd.s32 $0xF, s0  }
0x8d: {  	s4 =	sand.u32 $0xF, s1  }
0x8e: {  	s8 =	sshra.s32 s1, $0x1F;
	p2 =	slt.s32 s1, $0x1;
	p3 =	sne.s32 s4, $0x0  }
.Ltmp9:
0x8f: {  	s31 =	sshrl.u32 s8, $0x1C;
	p2 =	por !p2, !p3;
	(pc) =	sbr.rel @p0 .LBB2_19-.Ltmp9, $4  }
0x90: {  	s4 =	simm.s32 $0x1;
	s1 =	sadd.s32 s31, s1;
	p2 =	por !p2, !p2  }
0x91: {  	s1 =	sshra.s32 s1, $0x4;
	s4 =	simm.s32 @!p2 $0x0  }
0x92: {  	s30 =	ssub.s32 s1, s4  }
0x93: {  	p2 =	slt.s32 s30, $0x1  }
.Ltmp10:
0x94: {  	(pc) =	sbr.rel @p2 .LBB2_18-.Ltmp10, $1  }
0x95: {  	_ =	sdelay $0x3  }
0x96: {  	v5 =	vmov s0;
	s31 =	simm.s32 $0x0;
	s0 =	simm.s32 $0x0  }
.LBB2_15:
0x97: {  	s1 =	sshll.u32 s0, $0x4  }
0x98: {  	v6 =	vld [tilespmem:s1+$0x8080]  }
0x99: {  	s15 =	simm.s32 $0x7;
	v15 =	vmov s31;
	v24 =	vor.u32 s31, v3  }
0x9a: {  	s8 =	simm.s32 $0x6;
	s10 =	simm.s32 $0x5;
	s12 =	simm.s32 $0x4;
	v7 =	vor.u32 s1, v1;
	v16 =	vmov s15;
	v15 =	vshll.u32 v15, $0x9  }
0x9b: {  	s13 =	simm.s32 $0x3;
	s24 =	simm.s32 $0x2;
	s2 =	simm.s32 $0x1;
	v17 =	vmov s8;
	v18 =	vmov s10;
	v19 =	vmov s12  }
0x9c: {  	v20 =	vmov s13;
	v21 =	vmov s24;
	v22 =	vmov s2  }
0x9d: {  	v26 =	vor.u32 s15, v3;
	vm1 =	vlt.s32 v7, v5;
	v7 =	vshra.s32 v6, $0xE  }
0x9e: {  	v28 =	vor.u32 s8, v3;
	v30 =	vor.u32 s10, v3;
	v7 =	vnsel vm1, $0x0, v7  }
0x9f: {  	v16 =	vshll.u32 v16, $0x9;
	v17 =	vshll.u32 v17, $0x9;
	v8 =	vshll.u32 v7, $0x3  }
0xa0: {  	v18 =	vshll.u32 v18, $0x9;
	v7 =	vand.u32 $0x7F, v7;
	v8 =	vand.u32 $0xFFFFFC00, v8  }
0xa1: {  	v19 =	vshll.u32 v19, $0x9;
	v20 =	vshll.u32 v20, $0x9;
	v10 =	vor.u32 v7, v8  }
0xa2: {  	v16 =	vand.u32 $0x7000, v16;
	v14 =	vor.u32 $0x380, v10;
	v15 =	vadd.s32 v10, v15  }
0xa3: {  	v17 =	vand.u32 $0x7000, v17;
	v13 =	vor.u32 $0x300, v10;
	v16 =	vadd.s32 v14, v16  }
0xa4: {  	v18 =	vand.u32 $0x7000, v18;
	v12 =	vor.u32 $0x280, v10;
	v17 =	vadd.s32 v13, v17  }
0xa5: {  	v20 =	vand.u32 $0x7000, v20;
	v9 =	vor.u32 $0x180, v10;
	v18 =	vadd.s32 v12, v18  }
0xa6: {  	v19 =	vand.u32 $0x7000, v19;
	v11 =	vor.u32 $0x200, v10;
	v20 =	vadd.s32 v9, v20  }
0xa7: {  	v21 =	vshll.u32 v21, $0x9;
	v22 =	vshll.u32 v22, $0x9;
	v19 =	vadd.s32 v11, v19;
	v23 =	vld.idx.msk [tilespmem:v15+s19+$0x0], $0xffff  }
0xa8: {  	v21 =	vand.u32 $0x7000, v21;
	v8 =	vor.u32 $0x100, v10;
	v15 =	vand.u32 $0x7000, v22;
	v22 =	vld.idx.msk [tilespmem:v16+s19+$0x0], $0xffff  }
0xa9: {  	s4 =	simm.s32 $0x8;
	v32 =	vor.u32 s12, v3;
	v7 =	vor.u32 $0x80, v10;
	v21 =	vadd.s32 v8, v21;
	v27 =	vld.idx.msk [tilespmem:v17+s19+$0x0], $0xffff  }
0xaa: {  	s15 =	simm.s32 $0xE;
	s8 =	simm.s32 $0xD;
	v34 =	vor.u32 s13, v3;
	s12 =	simm.s32 $0xC;
	v16 =	vmov s4;
	v25 =	vadd.s32 v7, v15;
	v29 =	vld.idx.msk [tilespmem:v18+s19+$0x0], $0xffff  }
0xab: {  	s14 =	simm.s32 $0xF;
	v17 =	vmov s15;
	v33 =	vld.idx.msk [tilespmem:v20+s19+$0x0], $0xffff;
	v18 =	vmov s8;
	v20 =	vmov s12  }
0xac: {  	v31 =	vld.idx.msk [tilespmem:v19+s19+$0x0], $0xffff;
	v15 =	vshll.u32 v16, $0x9;
	v16 =	vmov s14;
	v17 =	vshll.u32 v17, $0x9  }
0xad: {  	v15 =	vadd.s32 v10, v15;
	v16 =	vshll.u32 v16, $0x9;
	v19 =	vand.u32 $0x7000, v17;
	[tilespmem:v24+s22+$0x0] =	vst.idx.msk $0xffff, v23  }
0xae: {  	v17 =	vor.u32 s24, v3;
	v23 =	vshll.u32 v20, $0x9;
	v20 =	vadd.s32 v13, v19;
	v19 =	vld.idx.msk [tilespmem:v21+s19+$0x0], $0xffff;
	[tilespmem:v26+s22+$0x0] =	vst.idx.msk $0xffff, v22  }
0xaf: {  	s10 =	simm.s32 $0xA;
	v16 =	vand.u32 $0x7000, v16;
	v22 =	vshll.u32 v18, $0x9;
	v18 =	vor.u32 s2, v3;
	[tilespmem:v28+s22+$0x0] =	vst.idx.msk $0xffff, v27;
	v21 =	vld.idx.msk [tilespmem:v25+s19+$0x0], $0xffff  }
0xb0: {  	s13 =	simm.s32 $0xB;
	v16 =	vadd.s32 v14, v16;
	v24 =	vmov s10;
	[tilespmem:v30+s22+$0x0] =	vst.idx.msk $0xffff, v29  }
0xb1: {  	v26 =	vmov s13;
	v23 =	vand.u32 $0x7000, v23;
	[tilespmem:v32+s22+$0x0] =	vst.idx.msk $0xffff, v31;
	v22 =	vand.u32 $0x7000, v22  }
0xb2: {  	s1 =	simm.s32 $0x10;
	s24 =	simm.s32 $0x9;
	[tilespmem:v34+s22+$0x0] =	vst.idx.msk $0xffff, v33;
	v25 =	vshll.u32 v26, $0x9;
	v23 =	vadd.s32 v11, v23;
	v22 =	vadd.s32 v12, v22  }
.LBB2_16:
0xb3: {  	p2 =	slt.u32 s1, $0x38;
	v26 =	vmov s24;
	v24 =	vshll.u32 v24, $0x9;
	v25 =	vand.u32 $0x7000, v25;
	[tilespmem:v17+s22+$0x0] =	vst.idx.msk $0xffff, v19  }
0xb4: {  	v17 =	vld.idx.msk [tilespmem:v15+s19+$0x0], $0xffff;
	v15 =	vshll.u32 v26, $0x9;
	v19 =	vand.u32 $0x7000, v24;
	v24 =	vadd.s32 v9, v25;
	[tilespmem:v18+s22+$0x0] =	vst.idx.msk $0xffff, v21  }
0xb5: {  	v18 =	vor.u32 s4, v3;
	s4 =	smov.u32 s1;
	v15 =	vand.u32 $0x7000, v15;
	v19 =	vadd.s32 v8, v19;
	v25 =	vld.idx.msk [tilespmem:v16+s19+$0x0], $0xffff  }
0xb6: {  	v26 =	vor.u32 s14, v3;
	s14 =	sadd.s32 $0x7, s1;
	v16 =	vmov s1;
	v21 =	vadd.s32 v7, v15;
	v20 =	vld.idx.msk [tilespmem:v20+s19+$0x0], $0xffff  }
0xb7: {  	v27 =	vor.u32 s15, v3;
	v15 =	vshll.u32 v16, $0x9;
	v16 =	vmov s14;
	v22 =	vld.idx.msk [tilespmem:v22+s19+$0x0], $0xffff  }
0xb8: {  	s15 =	sadd.s32 $0x6, s1;
	v28 =	vor.u32 s8, v3;
	v15 =	vadd.s32 v10, v15;
	v16 =	vshll.u32 v16, $0x9;
	v23 =	vld.idx.msk [tilespmem:v23+s19+$0x0], $0xffff  }
0xb9: {  	v29 =	vmov s15;
	v16 =	vand.u32 $0x7000, v16;
	v30 =	vld.idx.msk [tilespmem:v24+s19+$0x0], $0xffff;
	v24 =	vor.u32 s12, v3  }
0xba: {  	s8 =	sadd.s32 $0x5, s1;
	v31 =	vor.u32 s13, v3;
	v29 =	vshll.u32 v29, $0x9;
	v16 =	vadd.s32 v14, v16;
	[tilespmem:v18+s22+$0x0] =	vst.idx.msk $0xffff, v17;
	v19 =	vld.idx.msk [tilespmem:v19+s19+$0x0], $0xffff  }
.Ltmp11:
0xbb: {  	v29 =	vand.u32 $0x7000, v29;
	s12 =	sadd.s32 $0x4, s1;
	v18 =	vmov s8;
	v17 =	vor.u32 s10, v3;
	v21 =	vld.idx.msk [tilespmem:v21+s19+$0x0], $0xffff;
	[tilespmem:v26+s22+$0x0] =	vst.idx.msk $0xffff, v25;
	(pc) =	sbr.rel @p2 .LBB2_16-.Ltmp11, $4  }
0xbc: {  	v25 =	vmov s12;
	v26 =	vshll.u32 v18, $0x9;
	v18 =	vor.u32 s24, v3;
	[tilespmem:v27+s22+$0x0] =	vst.idx.msk $0xffff, v20  }
0xbd: {  	s13 =	sadd.s32 $0x3, s1;
	v25 =	vshll.u32 v25, $0x9;
	v26 =	vand.u32 $0x7000, v26;
	v20 =	vadd.s32 v13, v29;
	[tilespmem:v28+s22+$0x0] =	vst.idx.msk $0xffff, v22  }
0xbe: {  	s10 =	sadd.s32 $0x2, s1;
	v27 =	vmov s13;
	v28 =	vand.u32 $0x7000, v25;
	v22 =	vadd.s32 v12, v26;
	[tilespmem:v24+s22+$0x0] =	vst.idx.msk $0xffff, v23  }
0xbf: {  	s1 =	sadd.s32 $0x8, s1;
	s24 =	sadd.s32 $0x1, s4;
	v25 =	vshll.u32 v27, $0x9;
	v24 =	vmov s10;
	v23 =	vadd.s32 v11, v28;
	[tilespmem:v31+s22+$0x0] =	vst.idx.msk $0xffff, v30  }
0xc0: {  	_ =	sdelay $0x1  }
0xc1: {  	v10 =	vmov s24  }
0xc2: {  	v11 =	vshll.u32 v24, $0x9;
	v12 =	vand.u32 $0x7000, v25;
	v53 =	vor.u32 s4, v3  }
0xc3: {  	v13 =	vld.idx.msk [tilespmem:v15+s19+$0x0], $0xffff;
	v10 =	vshll.u32 v10, $0x9;
	v11 =	vand.u32 $0x7000, v11;
	v9 =	vadd.s32 v9, v12  }
0xc4: {  	v54 =	vld.idx.msk [tilespmem:v16+s19+$0x0], $0xffff;
	v14 =	vor.u32 s14, v3;
	v10 =	vand.u32 $0x7000, v10;
	v8 =	vadd.s32 v8, v11  }
0xc5: {  	v55 =	vld.idx.msk [tilespmem:v20+s19+$0x0], $0xffff;
	v56 =	vor.u32 s15, v3;
	v7 =	vadd.s32 v7, v10  }
0xc6: {  	[tilespmem:v17+s22+$0x0] =	vst.idx.msk $0xffff, v19;
	v57 =	vld.idx.msk [tilespmem:v22+s19+$0x0], $0xffff;
	v58 =	vor.u32 s8, v3  }
0xc7: {  	[tilespmem:v18+s22+$0x0] =	vst.idx.msk $0xffff, v21;
	v59 =	vld.idx.msk [tilespmem:v23+s19+$0x0], $0xffff;
	v60 =	vor.u32 s12, v3  }
0xc8: {  	v61 =	vor.u32 s13, v3;
	[tilespmem:v53+s22+$0x0] =	vst.idx.msk $0xffff, v13;
	v9 =	vld.idx.msk [tilespmem:v9+s19+$0x0], $0xffff  }
0xc9: {  	v62 =	vor.u32 s10, v3;
	[tilespmem:v14+s22+$0x0] =	vst.idx.msk $0xffff, v54;
	v8 =	vld.idx.msk [tilespmem:v8+s19+$0x0], $0xffff  }
0xca: {  	v63 =	vor.u32 s24, v3;
	v6 =	vand.u32 $0x3FFF, v6;
	[tilespmem:v56+s22+$0x0] =	vst.idx.msk $0xffff, v55;
	v7 =	vld.idx.msk [tilespmem:v7+s19+$0x0], $0xffff  }
0xcb: {  	v6 =	vnsel vm1, $0x4000, v6;
	[tilespmem:v58+s22+$0x0] =	vst.idx.msk $0xffff, v57  }
0xcc: {  	[tilespmem:v60+s22+$0x0] =	vst.idx.msk $0xffff, v59  }
0xcd: {  	s0 =	sadd.s32 $0x1, s0;
	[tilespmem:v61+s22+$0x0] =	vst.idx.msk $0xffff, v9  }
0xce: {  	p2 =	seq.s32 s0, s30;
	[tilespmem:v62+s22+$0x0] =	vst.idx.msk $0xffff, v8  }
.Ltmp12:
0xcf: {  	[tilespmem:v63+s22+$0x0] =	vst.idx.msk $0xffff, v7;
	(pc) =	sbr.rel @!p2 .LBB2_15-.Ltmp12, $4  }
0xd0: {  	[hbm4b:s5+s3] =	stream.indirect_vreg.scatter [tilespmem:s22], [sflag:$0x3], $0x80, v6, vm0, $0xb8;
	[tilespmem:$0x1C900] =	vst v63  }
0xd1: {  	_ =	swait.ge [sflag:s16], $0x800  }
0xd2: {  	[sflag:s16] =	ssyncset.done $0x0  }
0xd3: {  	[sflag:s16] =	ssyncadd.s32 $0xFFFFF800  }
.LBB2_18:
0xd4: {  	p3 =	seq.s32 s26, $0x6  }
.Ltmp13:
0xd5: {  	_ = 	snop;
	(pc) =	sbr.rel @p3 .LBB2_26-.Ltmp13, $4  }
.Ltmp14:
0xd6: {  	_ = 	snop;
	(pc) =	sbr.rel @!p3 .LBB2_25-.Ltmp14, $4  }
0xd7: {  	_ = 	snop  }
0xd8: {  	_ = 	snop  }
0xd9: {  	p2 =	por $0x1, $0x1;
	s0 =	smov.u32 s9  }
0xda: {  	_ = 	snop  }
.LBB2_19:
.Ltmp15:
0xdb: {  	(pc) =	sbr.rel @p2 .LBB2_24-.Ltmp15, $1  }
0xdc: {  	_ =	sdelay $0x3  }
0xdd: {  	v5 =	vmov s0;
	s31 =	simm.s32 $0x0;
	s0 =	simm.s32 $0x0  }
.LBB2_21:
0xde: {  	s1 =	sshll.u32 s0, $0x4  }
0xdf: {  	v6 =	vld [tilespmem:s1+$0x8080]  }
0xe0: {  	s15 =	simm.s32 $0x7;
	v15 =	vmov s31;
	v24 =	vor.u32 s31, v3  }
0xe1: {  	s2 =	simm.s32 $0x6;
	s8 =	simm.s32 $0x5;
	s10 =	simm.s32 $0x4;
	v7 =	vor.u32 s1, v1;
	v16 =	vmov s15;
	v15 =	vshll.u32 v15, $0x9  }
0xe2: {  	s12 =	simm.s32 $0x3;
	s13 =	simm.s32 $0x2;
	s24 =	simm.s32 $0x1;
	v17 =	vmov s2;
	v18 =	vmov s8;
	v19 =	vmov s10  }
0xe3: {  	v20 =	vmov s12;
	v21 =	vmov s13;
	v22 =	vmov s24  }
0xe4: {  	v26 =	vor.u32 s15, v3;
	vm1 =	vlt.s32 v7, v5;
	v7 =	vshra.s32 v6, $0xE  }
0xe5: {  	v28 =	vor.u32 s2, v3;
	v30 =	vor.u32 s8, v3;
	v7 =	vnsel vm1, $0x0, v7  }
0xe6: {  	v16 =	vshll.u32 v16, $0x9;
	v17 =	vshll.u32 v17, $0x9;
	v8 =	vshll.u32 v7, $0x3  }
0xe7: {  	v18 =	vshll.u32 v18, $0x9;
	v7 =	vand.u32 $0x7F, v7;
	v8 =	vand.u32 $0xFFFFFC00, v8  }
0xe8: {  	v19 =	vshll.u32 v19, $0x9;
	v20 =	vshll.u32 v20, $0x9;
	v10 =	vor.u32 v7, v8  }
0xe9: {  	v16 =	vand.u32 $0x7000, v16;
	v14 =	vor.u32 $0x380, v10;
	v15 =	vadd.s32 v10, v15  }
0xea: {  	v17 =	vand.u32 $0x7000, v17;
	v13 =	vor.u32 $0x300, v10;
	v16 =	vadd.s32 v14, v16  }
0xeb: {  	v18 =	vand.u32 $0x7000, v18;
	v12 =	vor.u32 $0x280, v10;
	v17 =	vadd.s32 v13, v17  }
0xec: {  	v20 =	vand.u32 $0x7000, v20;
	v9 =	vor.u32 $0x180, v10;
	v18 =	vadd.s32 v12, v18  }
0xed: {  	v19 =	vand.u32 $0x7000, v19;
	v11 =	vor.u32 $0x200, v10;
	v20 =	vadd.s32 v9, v20  }
0xee: {  	v21 =	vshll.u32 v21, $0x9;
	v22 =	vshll.u32 v22, $0x9;
	v19 =	vadd.s32 v11, v19;
	v23 =	vld.idx.msk [tilespmem:v15+s19+$0x0], $0xffff  }
0xef: {  	v21 =	vand.u32 $0x7000, v21;
	v8 =	vor.u32 $0x100, v10;
	v15 =	vand.u32 $0x7000, v22;
	v22 =	vld.idx.msk [tilespmem:v16+s19+$0x0], $0xffff  }
0xf0: {  	s4 =	simm.s32 $0x8;
	v32 =	vor.u32 s10, v3;
	v7 =	vor.u32 $0x80, v10;
	v21 =	vadd.s32 v8, v21;
	v27 =	vld.idx.msk [tilespmem:v17+s19+$0x0], $0xffff  }
0xf1: {  	s15 =	simm.s32 $0xE;
	s8 =	simm.s32 $0xD;
	v34 =	vor.u32 s12, v3;
	s12 =	simm.s32 $0xC;
	v16 =	vmov s4;
	v25 =	vadd.s32 v7, v15;
	v29 =	vld.idx.msk [tilespmem:v18+s19+$0x0], $0xffff  }
0xf2: {  	s14 =	simm.s32 $0xF;
	v17 =	vmov s15;
	v33 =	vld.idx.msk [tilespmem:v20+s19+$0x0], $0xffff;
	v18 =	vmov s8;
	v20 =	vmov s12  }
0xf3: {  	v31 =	vld.idx.msk [tilespmem:v19+s19+$0x0], $0xffff;
	v15 =	vshll.u32 v16, $0x9;
	v16 =	vmov s14;
	v17 =	vshll.u32 v17, $0x9  }
0xf4: {  	v15 =	vadd.s32 v10, v15;
	v16 =	vshll.u32 v16, $0x9;
	v19 =	vand.u32 $0x7000, v17;
	[tilespmem:v24+s22+$0x0] =	vst.idx.msk $0xffff, v23  }
0xf5: {  	v17 =	vor.u32 s13, v3;
	v23 =	vshll.u32 v20, $0x9;
	v20 =	vadd.s32 v13, v19;
	v19 =	vld.idx.msk [tilespmem:v21+s19+$0x0], $0xffff;
	[tilespmem:v26+s22+$0x0] =	vst.idx.msk $0xffff, v22  }
0xf6: {  	s10 =	simm.s32 $0xA;
	v16 =	vand.u32 $0x7000, v16;
	v22 =	vshll.u32 v18, $0x9;
	v18 =	vor.u32 s24, v3;
	[tilespmem:v28+s22+$0x0] =	vst.idx.msk $0xffff, v27;
	v21 =	vld.idx.msk [tilespmem:v25+s19+$0x0], $0xffff  }
0xf7: {  	s13 =	simm.s32 $0xB;
	v16 =	vadd.s32 v14, v16;
	v24 =	vmov s10;
	[tilespmem:v30+s22+$0x0] =	vst.idx.msk $0xffff, v29  }
0xf8: {  	v26 =	vmov s13;
	v23 =	vand.u32 $0x7000, v23;
	[tilespmem:v32+s22+$0x0] =	vst.idx.msk $0xffff, v31;
	v22 =	vand.u32 $0x7000, v22  }
0xf9: {  	s1 =	simm.s32 $0x10;
	s24 =	simm.s32 $0x9;
	[tilespmem:v34+s22+$0x0] =	vst.idx.msk $0xffff, v33;
	v25 =	vshll.u32 v26, $0x9;
	v23 =	vadd.s32 v11, v23;
	v22 =	vadd.s32 v12, v22  }
.LBB2_22:
0xfa: {  	p2 =	slt.u32 s1, $0x38;
	v26 =	vmov s24;
	v24 =	vshll.u32 v24, $0x9;
	v25 =	vand.u32 $0x7000, v25;
	[tilespmem:v17+s22+$0x0] =	vst.idx.msk $0xffff, v19  }
0xfb: {  	v17 =	vld.idx.msk [tilespmem:v15+s19+$0x0], $0xffff;
	v15 =	vshll.u32 v26, $0x9;
	v19 =	vand.u32 $0x7000, v24;
	v24 =	vadd.s32 v9, v25;
	[tilespmem:v18+s22+$0x0] =	vst.idx.msk $0xffff, v21  }
0xfc: {  	v18 =	vor.u32 s4, v3;
	s4 =	smov.u32 s1;
	v15 =	vand.u32 $0x7000, v15;
	v19 =	vadd.s32 v8, v19;
	v25 =	vld.idx.msk [tilespmem:v16+s19+$0x0], $0xffff  }
0xfd: {  	v26 =	vor.u32 s14, v3;
	s14 =	sadd.s32 $0x7, s1;
	v16 =	vmov s1;
	v21 =	vadd.s32 v7, v15;
	v20 =	vld.idx.msk [tilespmem:v20+s19+$0x0], $0xffff  }
0xfe: {  	v27 =	vor.u32 s15, v3;
	v15 =	vshll.u32 v16, $0x9;
	v16 =	vmov s14;
	v22 =	vld.idx.msk [tilespmem:v22+s19+$0x0], $0xffff  }
0xff: {  	s15 =	sadd.s32 $0x6, s1;
	v28 =	vor.u32 s8, v3;
	v15 =	vadd.s32 v10, v15;
	v16 =	vshll.u32 v16, $0x9;
	v23 =	vld.idx.msk [tilespmem:v23+s19+$0x0], $0xffff  }
0x100: {  	v29 =	vmov s15;
	v16 =	vand.u32 $0x7000, v16;
	v30 =	vld.idx.msk [tilespmem:v24+s19+$0x0], $0xffff;
	v24 =	vor.u32 s12, v3  }
0x101: {  	s8 =	sadd.s32 $0x5, s1;
	v31 =	vor.u32 s13, v3;
	v29 =	vshll.u32 v29, $0x9;
	v16 =	vadd.s32 v14, v16;
	[tilespmem:v18+s22+$0x0] =	vst.idx.msk $0xffff, v17;
	v19 =	vld.idx.msk [tilespmem:v19+s19+$0x0], $0xffff  }
.Ltmp16:
0x102: {  	v29 =	vand.u32 $0x7000, v29;
	s12 =	sadd.s32 $0x4, s1;
	v18 =	vmov s8;
	v17 =	vor.u32 s10, v3;
	v21 =	vld.idx.msk [tilespmem:v21+s19+$0x0], $0xffff;
	[tilespmem:v26+s22+$0x0] =	vst.idx.msk $0xffff, v25;
	(pc) =	sbr.rel @p2 .LBB2_22-.Ltmp16, $4  }
0x103: {  	v25 =	vmov s12;
	v26 =	vshll.u32 v18, $0x9;
	v18 =	vor.u32 s24, v3;
	[tilespmem:v27+s22+$0x0] =	vst.idx.msk $0xffff, v20  }
0x104: {  	s13 =	sadd.s32 $0x3, s1;
	v25 =	vshll.u32 v25, $0x9;
	v26 =	vand.u32 $0x7000, v26;
	v20 =	vadd.s32 v13, v29;
	[tilespmem:v28+s22+$0x0] =	vst.idx.msk $0xffff, v22  }
0x105: {  	s10 =	sadd.s32 $0x2, s1;
	v27 =	vmov s13;
	v28 =	vand.u32 $0x7000, v25;
	v22 =	vadd.s32 v12, v26;
	[tilespmem:v24+s22+$0x0] =	vst.idx.msk $0xffff, v23  }
0x106: {  	s1 =	sadd.s32 $0x8, s1;
	s24 =	sadd.s32 $0x1, s4;
	v25 =	vshll.u32 v27, $0x9;
	v24 =	vmov s10;
	v23 =	vadd.s32 v11, v28;
	[tilespmem:v31+s22+$0x0] =	vst.idx.msk $0xffff, v30  }
0x107: {  	_ =	sdelay $0x1  }
0x108: {  	v10 =	vmov s24  }
0x109: {  	v11 =	vshll.u32 v24, $0x9;
	v12 =	vand.u32 $0x7000, v25;
	v53 =	vor.u32 s4, v3  }
0x10a: {  	v13 =	vld.idx.msk [tilespmem:v15+s19+$0x0], $0xffff;
	v10 =	vshll.u32 v10, $0x9;
	v11 =	vand.u32 $0x7000, v11;
	v9 =	vadd.s32 v9, v12  }
0x10b: {  	v54 =	vld.idx.msk [tilespmem:v16+s19+$0x0], $0xffff;
	v14 =	vor.u32 s14, v3;
	v10 =	vand.u32 $0x7000, v10;
	v8 =	vadd.s32 v8, v11  }
0x10c: {  	v55 =	vld.idx.msk [tilespmem:v20+s19+$0x0], $0xffff;
	v56 =	vor.u32 s15, v3;
	v7 =	vadd.s32 v7, v10  }
0x10d: {  	[tilespmem:v17+s22+$0x0] =	vst.idx.msk $0xffff, v19;
	v57 =	vld.idx.msk [tilespmem:v22+s19+$0x0], $0xffff;
	v58 =	vor.u32 s8, v3  }
0x10e: {  	[tilespmem:v18+s22+$0x0] =	vst.idx.msk $0xffff, v21;
	v59 =	vld.idx.msk [tilespmem:v23+s19+$0x0], $0xffff;
	v60 =	vor.u32 s12, v3  }
0x10f: {  	v61 =	vor.u32 s13, v3;
	[tilespmem:v53+s22+$0x0] =	vst.idx.msk $0xffff, v13;
	v9 =	vld.idx.msk [tilespmem:v9+s19+$0x0], $0xffff  }
0x110: {  	v62 =	vor.u32 s10, v3;
	[tilespmem:v14+s22+$0x0] =	vst.idx.msk $0xffff, v54;
	v8 =	vld.idx.msk [tilespmem:v8+s19+$0x0], $0xffff  }
0x111: {  	v63 =	vor.u32 s24, v3;
	v6 =	vand.u32 $0x3FFF, v6;
	[tilespmem:v56+s22+$0x0] =	vst.idx.msk $0xffff, v55;
	v7 =	vld.idx.msk [tilespmem:v7+s19+$0x0], $0xffff  }
0x112: {  	v6 =	vnsel vm1, $0x4000, v6;
	[tilespmem:v58+s22+$0x0] =	vst.idx.msk $0xffff, v57  }
0x113: {  	[tilespmem:v60+s22+$0x0] =	vst.idx.msk $0xffff, v59  }
0x114: {  	s0 =	sadd.s32 $0x1, s0;
	[tilespmem:v61+s22+$0x0] =	vst.idx.msk $0xffff, v9  }
0x115: {  	p2 =	sne.s32 s0, s30;
	[tilespmem:v62+s22+$0x0] =	vst.idx.msk $0xffff, v8  }
.Ltmp17:
0x116: {  	[tilespmem:v63+s22+$0x0] =	vst.idx.msk $0xffff, v7;
	(pc) =	sbr.rel @p2 .LBB2_21-.Ltmp17, $4  }
0x117: {  	[hbm4b:s6+s3] =	stream.indirect_vreg.scatter [tilespmem:s22], [sflag:$0x3], $0x80, v6, vm0, $0xb8;
	[tilespmem:$0x1C900] =	vst v63  }
0x118: {  	_ =	swait.ge [sflag:s16], $0x800  }
0x119: {  	[sflag:s16] =	ssyncset.done $0x0  }
0x11a: {  	[sflag:s16] =	ssyncadd.s32 $0xFFFFF800  }
.LBB2_24:
0x11b: {  	p3 =	seq.s32 s26, $0x6  }
.Ltmp18:
0x11c: {  	_ = 	snop;
	(pc) =	sbr.rel @p3 .LBB2_26-.Ltmp18, $2  }
0x11d: {  	_ =	sdelay $0x2  }
0x11e: {  	p2 =	por $0x1, $0x1;
	s0 =	smov.u32 s11  }
.LBB2_25:
0x11f: {  	s1 =	rddreg [dreg:$0x6]  }
0x120: {  	s1 =	sadd.s32 s28, s1  }
0x121: {  	s1 =	smin.u32 s1, $0x18500  }
0x122: {  	p2 =	por $0x0, $0x0;
	s0 =	sadd.s32 s0, s1  }
0x123: {  	[tilespmem:s19], [sflag:$0x1] =	stream.strided.gather [hbm4b:s0+s17], $0x8000, s18, s17, $0x38;
	[tilespmem:$0x1C900] =	vst v63  }
.LBB2_26:
.Ltmp19:
0x124: {  	(pc) =	sbr.rel @p1 .LBB2_27-.Ltmp19, $4  }
0x125: {  	_ = 	snop  }
0x126: {  	_ =	swait.ge [sflag:s23], $0x8000  }
0x127: {  	[sflag:s23] =	ssyncset.done $0x0  }
0x128: {  	[sflag:s23] =	ssyncadd.s32 $0xFFFF8000  }
0x129: {  	s0 =	simm.s32 $0x4000  }
0x12a: {  	v7 =	vld [tilespmem:s0+$0x0];
	_ =	sdelay $0x4  }
0x12b: {  	s1 =	sor.u32 $0x1, s29;
	v8 =	vshra.s32 v7, $0xE  }
0x12c: {  	s2 =	sshll.u32 s1, $0x9;
	s0 =	simm.s32 $0x0;
	v6 =	vsub.s32 v8, v2  }
0x12d: {  	p4 =	sne.s32 s25, $0x1;
	v5 =	vmov s1;
	s2 =	sadd.s32 s7, s2;
	v9 =	vor.u32 s0, v1;
	v6 =	vshra.s32 v6, $0x9  }
.Ltmp20:
0x12e: {  	s31 =	smin.u32 s2, $0x18500;
	vm1 =	vlt.s32 v9, v4;
	vm2 =	veq.s32 v6, v5;
	(pc) =	sbr.rel @!p4 .LBB2_29-.Ltmp20, $4  }
0x12f: {  	v6 =	vmov s31;
	vm1 =	vmand vm1, vm2  }
0x130: {  	v8 =	vsub.s32 v8, v6;
	v63 =	vmpcnt.ones.xlane vm1  }
0x131: {  	v7 =	vand.u32 $0x3FFF, v7;
	v8 =	vshll.u32 v8, $0xE  }
0x132: {  	s8 =	sadd.s32 $0xFFFFFFFF, s25;
	p3 =	por $0x0, $0x0;
	v7 =	vor.u32 v7, v8;
	(v2sf) =	vpush v63, $0x0  }
0x133: {  	_ = 	snop  }
0x134: {  	[tilespmem:s0+$0x8080] =	vst.msk vm1, v7;
	s1 =	simm.s32 $0x4010  }
0x135: {  	v7 =	vld [tilespmem:s1+$0x0];
	_ =	sdelay $0x4  }
0x136: {  	v8 =	vshra.s32 v7, $0xE  }
0x137: {  	s4 =	simm.s32 $0x10;
	v9 =	vsub.s32 v8, v2  }
0x138: {  	p4 =	sne.s32 s8, $0x1;
	v10 =	vor.u32 s4, v1;
	v9 =	vshra.s32 v9, $0x9  }
.Ltmp21:
0x139: {  	vm1 =	vlt.s32 v10, v4;
	vm2 =	veq.s32 v9, v5;
	(pc) =	sbr.rel @!p4 .LBB2_31-.Ltmp21, $4  }
0x13a: {  	vm1 =	vmand vm1, vm2  }
0x13b: {  	v8 =	vsub.s32 v8, v6;
	v63 =	vmpcnt.ones.xlane vm1  }
0x13c: {  	s10 =	sadd.s32 $0xFFFFFFFF, s8;
	v7 =	vand.u32 $0x3FFF, v7;
	v8 =	vshll.u32 v8, $0xE  }
0x13d: {  	p3 =	por $0x1, $0x1;
	s8 =	simm.s32 $0x0;
	v7 =	vor.u32 v7, v8;
	(v2sf) =	vpush v63, $0x0;
	s12 =	spop (v2sf)  }
.LBB2_32:
0x13e: {  	p4 =	sne.s32 s10, $0x1;
	s10 =	sadd.s32 $0xFFFFFFFF, s10;
	s8 =	sadd.s32 s8, s12  }
0x13f: {  	s1 =	sadd.s32 $0x10, s1;
	[tilespmem:s8+$0x8080] =	vst.msk vm1, v7  }
0x140: {  	v7 =	vld [tilespmem:s1+$0x0];
	_ =	sdelay $0x4  }
0x141: {  	s4 =	sadd.s32 $0x10, s4;
	v8 =	vshra.s32 v7, $0xE  }
0x142: {  	v9 =	vor.u32 s4, v1;
	v10 =	vsub.s32 v8, v2;
	v8 =	vsub.s32 v8, v6  }
0x143: {  	v7 =	vand.u32 $0x3FFF, v7;
	v10 =	vshra.s32 v10, $0x9;
	v8 =	vshll.u32 v8, $0xE  }
.Ltmp22:
0x144: {  	vm1 =	vlt.s32 v9, v4;
	vm2 =	veq.s32 v10, v5;
	v7 =	vor.u32 v7, v8;
	(pc) =	sbr.rel @p4 .LBB2_32-.Ltmp22, $3  }
0x145: {  	vm1 =	vmand vm1, vm2  }
0x146: {  	v8 =	vmpcnt.ones.xlane vm1;
	_ =	sdelay $0x1  }
0x147: {  	(v2sf) =	vpush v8, $0x0;
	s12 =	spop (v2sf)  }
0x148: {  	_ = 	snop  }
.LBB2_34:
.Ltmp23:
0x149: {  	(pc) =	sbr.rel .LBB2_35-.Ltmp23, $4  }
0x14a: {  	_ = 	snop  }
0x14b: {  	s1 =	sadd.s32 @p3 s8, s12  }
0x14c: {  	s31 =	spop (v2sf);
	s0 =	smov.u32 @p3 s1  }
0x14d: {  	[tilespmem:s0+$0x8080] =	vst.msk vm1, v7;
	s0 =	sadd.s32 s0, s31  }
.LBB2_27:
0x14e: {  	s0 =	simm.s32 $0x0  }
.LBB2_35:
0x14f: {  	s1 =	sadd.s32 $0xF, s0  }
0x150: {  	s2 =	sand.u32 $0xF, s1  }
0x151: {  	s4 =	sshra.s32 s1, $0x1F;
	p3 =	slt.s32 s1, $0x1;
	p4 =	sne.s32 s2, $0x0  }
.Ltmp24:
0x152: {  	s31 =	sshrl.u32 s4, $0x1C;
	p3 =	por !p3, !p4;
	(pc) =	sbr.rel @p0 .LBB2_42-.Ltmp24, $4  }
0x153: {  	s2 =	simm.s32 $0x1;
	s1 =	sadd.s32 s31, s1;
	p3 =	por !p3, !p3  }
0x154: {  	s1 =	sshra.s32 s1, $0x4;
	s2 =	simm.s32 @!p3 $0x0  }
0x155: {  	s29 =	ssub.s32 s1, s2  }
0x156: {  	p3 =	slt.s32 s29, $0x1  }
.Ltmp25:
0x157: {  	(pc) =	sbr.rel @p3 .LBB2_41-.Ltmp25, $1  }
0x158: {  	_ =	sdelay $0x3  }
0x159: {  	v5 =	vmov s0;
	s30 =	simm.s32 $0x0;
	s0 =	simm.s32 $0x0  }
.LBB2_38:
0x15a: {  	s1 =	sshll.u32 s0, $0x4  }
0x15b: {  	v6 =	vld [tilespmem:s1+$0x8080]  }
0x15c: {  	s31 =	simm.s32 $0x7;
	v15 =	vmov s30;
	v24 =	vor.u32 s30, v3  }
0x15d: {  	s2 =	simm.s32 $0x6;
	s8 =	simm.s32 $0x5;
	s10 =	simm.s32 $0x4;
	v7 =	vor.u32 s1, v1;
	v16 =	vmov s31;
	v15 =	vshll.u32 v15, $0x9  }
0x15e: {  	s12 =	simm.s32 $0x3;
	s13 =	simm.s32 $0x2;
	s24 =	simm.s32 $0x1;
	v17 =	vmov s2;
	v18 =	vmov s8;
	v19 =	vmov s10  }
0x15f: {  	v20 =	vmov s12;
	v21 =	vmov s13;
	v22 =	vmov s24  }
0x160: {  	v26 =	vor.u32 s31, v3;
	vm1 =	vlt.s32 v7, v5;
	v7 =	vshra.s32 v6, $0xE  }
0x161: {  	v28 =	vor.u32 s2, v3;
	v30 =	vor.u32 s8, v3;
	v7 =	vnsel vm1, $0x0, v7  }
0x162: {  	v16 =	vshll.u32 v16, $0x9;
	v17 =	vshll.u32 v17, $0x9;
	v8 =	vshll.u32 v7, $0x3  }
0x163: {  	v18 =	vshll.u32 v18, $0x9;
	v7 =	vand.u32 $0x7F, v7;
	v8 =	vand.u32 $0xFFFFFC00, v8  }
0x164: {  	v19 =	vshll.u32 v19, $0x9;
	v20 =	vshll.u32 v20, $0x9;
	v10 =	vor.u32 v7, v8  }
0x165: {  	v16 =	vand.u32 $0x7000, v16;
	v14 =	vor.u32 $0x380, v10;
	v15 =	vadd.s32 v10, v15  }
0x166: {  	v17 =	vand.u32 $0x7000, v17;
	v13 =	vor.u32 $0x300, v10;
	v16 =	vadd.s32 v14, v16  }
0x167: {  	v18 =	vand.u32 $0x7000, v18;
	v12 =	vor.u32 $0x280, v10;
	v17 =	vadd.s32 v13, v17  }
0x168: {  	v20 =	vand.u32 $0x7000, v20;
	v9 =	vor.u32 $0x180, v10;
	v18 =	vadd.s32 v12, v18  }
0x169: {  	v19 =	vand.u32 $0x7000, v19;
	v11 =	vor.u32 $0x200, v10;
	v20 =	vadd.s32 v9, v20  }
0x16a: {  	v21 =	vshll.u32 v21, $0x9;
	v22 =	vshll.u32 v22, $0x9;
	v19 =	vadd.s32 v11, v19;
	v23 =	vld.idx.msk [tilespmem:v15+s20+$0x0], $0xffff  }
0x16b: {  	v21 =	vand.u32 $0x7000, v21;
	v8 =	vor.u32 $0x100, v10;
	v15 =	vand.u32 $0x7000, v22;
	v22 =	vld.idx.msk [tilespmem:v16+s20+$0x0], $0xffff  }
0x16c: {  	s4 =	simm.s32 $0x8;
	v32 =	vor.u32 s10, v3;
	v7 =	vor.u32 $0x80, v10;
	v21 =	vadd.s32 v8, v21;
	v27 =	vld.idx.msk [tilespmem:v17+s20+$0x0], $0xffff  }
0x16d: {  	s15 =	simm.s32 $0xE;
	s8 =	simm.s32 $0xD;
	v34 =	vor.u32 s12, v3;
	s12 =	simm.s32 $0xC;
	v16 =	vmov s4;
	v25 =	vadd.s32 v7, v15;
	v29 =	vld.idx.msk [tilespmem:v18+s20+$0x0], $0xffff  }
0x16e: {  	s14 =	simm.s32 $0xF;
	v17 =	vmov s15;
	v33 =	vld.idx.msk [tilespmem:v20+s20+$0x0], $0xffff;
	v18 =	vmov s8;
	v20 =	vmov s12  }
0x16f: {  	v31 =	vld.idx.msk [tilespmem:v19+s20+$0x0], $0xffff;
	v15 =	vshll.u32 v16, $0x9;
	v16 =	vmov s14;
	v17 =	vshll.u32 v17, $0x9  }
0x170: {  	v15 =	vadd.s32 v10, v15;
	v16 =	vshll.u32 v16, $0x9;
	v19 =	vand.u32 $0x7000, v17;
	[tilespmem:v24+s22+$0x0] =	vst.idx.msk $0xffff, v23  }
0x171: {  	v17 =	vor.u32 s13, v3;
	v23 =	vshll.u32 v20, $0x9;
	v20 =	vadd.s32 v13, v19;
	v19 =	vld.idx.msk [tilespmem:v21+s20+$0x0], $0xffff;
	[tilespmem:v26+s22+$0x0] =	vst.idx.msk $0xffff, v22  }
0x172: {  	s10 =	simm.s32 $0xA;
	v16 =	vand.u32 $0x7000, v16;
	v22 =	vshll.u32 v18, $0x9;
	v18 =	vor.u32 s24, v3;
	[tilespmem:v28+s22+$0x0] =	vst.idx.msk $0xffff, v27;
	v21 =	vld.idx.msk [tilespmem:v25+s20+$0x0], $0xffff  }
0x173: {  	s13 =	simm.s32 $0xB;
	v16 =	vadd.s32 v14, v16;
	v24 =	vmov s10;
	[tilespmem:v30+s22+$0x0] =	vst.idx.msk $0xffff, v29  }
0x174: {  	v26 =	vmov s13;
	v23 =	vand.u32 $0x7000, v23;
	[tilespmem:v32+s22+$0x0] =	vst.idx.msk $0xffff, v31;
	v22 =	vand.u32 $0x7000, v22  }
0x175: {  	s1 =	simm.s32 $0x10;
	s24 =	simm.s32 $0x9;
	[tilespmem:v34+s22+$0x0] =	vst.idx.msk $0xffff, v33;
	v25 =	vshll.u32 v26, $0x9;
	v23 =	vadd.s32 v11, v23;
	v22 =	vadd.s32 v12, v22  }
.LBB2_39:
0x176: {  	p3 =	slt.u32 s1, $0x38;
	v26 =	vmov s24;
	v24 =	vshll.u32 v24, $0x9;
	v25 =	vand.u32 $0x7000, v25;
	[tilespmem:v17+s22+$0x0] =	vst.idx.msk $0xffff, v19  }
0x177: {  	v17 =	vld.idx.msk [tilespmem:v15+s20+$0x0], $0xffff;
	v15 =	vshll.u32 v26, $0x9;
	v19 =	vand.u32 $0x7000, v24;
	v24 =	vadd.s32 v9, v25;
	[tilespmem:v18+s22+$0x0] =	vst.idx.msk $0xffff, v21  }
0x178: {  	v18 =	vor.u32 s4, v3;
	s4 =	smov.u32 s1;
	v15 =	vand.u32 $0x7000, v15;
	v19 =	vadd.s32 v8, v19;
	v25 =	vld.idx.msk [tilespmem:v16+s20+$0x0], $0xffff  }
0x179: {  	v26 =	vor.u32 s14, v3;
	s14 =	sadd.s32 $0x7, s1;
	v16 =	vmov s1;
	v21 =	vadd.s32 v7, v15;
	v20 =	vld.idx.msk [tilespmem:v20+s20+$0x0], $0xffff  }
0x17a: {  	v27 =	vor.u32 s15, v3;
	v15 =	vshll.u32 v16, $0x9;
	v16 =	vmov s14;
	v22 =	vld.idx.msk [tilespmem:v22+s20+$0x0], $0xffff  }
0x17b: {  	s15 =	sadd.s32 $0x6, s1;
	v28 =	vor.u32 s8, v3;
	v15 =	vadd.s32 v10, v15;
	v16 =	vshll.u32 v16, $0x9;
	v23 =	vld.idx.msk [tilespmem:v23+s20+$0x0], $0xffff  }
0x17c: {  	v29 =	vmov s15;
	v16 =	vand.u32 $0x7000, v16;
	v30 =	vld.idx.msk [tilespmem:v24+s20+$0x0], $0xffff;
	v24 =	vor.u32 s12, v3  }
0x17d: {  	s8 =	sadd.s32 $0x5, s1;
	v31 =	vor.u32 s13, v3;
	v29 =	vshll.u32 v29, $0x9;
	v16 =	vadd.s32 v14, v16;
	[tilespmem:v18+s22+$0x0] =	vst.idx.msk $0xffff, v17;
	v19 =	vld.idx.msk [tilespmem:v19+s20+$0x0], $0xffff  }
.Ltmp26:
0x17e: {  	v29 =	vand.u32 $0x7000, v29;
	s12 =	sadd.s32 $0x4, s1;
	v18 =	vmov s8;
	v17 =	vor.u32 s10, v3;
	v21 =	vld.idx.msk [tilespmem:v21+s20+$0x0], $0xffff;
	[tilespmem:v26+s22+$0x0] =	vst.idx.msk $0xffff, v25;
	(pc) =	sbr.rel @p3 .LBB2_39-.Ltmp26, $4  }
0x17f: {  	v25 =	vmov s12;
	v26 =	vshll.u32 v18, $0x9;
	v18 =	vor.u32 s24, v3;
	[tilespmem:v27+s22+$0x0] =	vst.idx.msk $0xffff, v20  }
0x180: {  	s13 =	sadd.s32 $0x3, s1;
	v25 =	vshll.u32 v25, $0x9;
	v26 =	vand.u32 $0x7000, v26;
	v20 =	vadd.s32 v13, v29;
	[tilespmem:v28+s22+$0x0] =	vst.idx.msk $0xffff, v22  }
0x181: {  	s10 =	sadd.s32 $0x2, s1;
	v27 =	vmov s13;
	v28 =	vand.u32 $0x7000, v25;
	v22 =	vadd.s32 v12, v26;
	[tilespmem:v24+s22+$0x0] =	vst.idx.msk $0xffff, v23  }
0x182: {  	s1 =	sadd.s32 $0x8, s1;
	s24 =	sadd.s32 $0x1, s4;
	v25 =	vshll.u32 v27, $0x9;
	v24 =	vmov s10;
	v23 =	vadd.s32 v11, v28;
	[tilespmem:v31+s22+$0x0] =	vst.idx.msk $0xffff, v30  }
0x183: {  	_ =	sdelay $0x1  }
0x184: {  	v10 =	vmov s24  }
0x185: {  	v11 =	vshll.u32 v24, $0x9;
	v12 =	vand.u32 $0x7000, v25;
	v53 =	vor.u32 s4, v3  }
0x186: {  	v13 =	vld.idx.msk [tilespmem:v15+s20+$0x0], $0xffff;
	v10 =	vshll.u32 v10, $0x9;
	v11 =	vand.u32 $0x7000, v11;
	v9 =	vadd.s32 v9, v12  }
0x187: {  	v54 =	vld.idx.msk [tilespmem:v16+s20+$0x0], $0xffff;
	v14 =	vor.u32 s14, v3;
	v10 =	vand.u32 $0x7000, v10;
	v8 =	vadd.s32 v8, v11  }
0x188: {  	v55 =	vld.idx.msk [tilespmem:v20+s20+$0x0], $0xffff;
	v56 =	vor.u32 s15, v3;
	v7 =	vadd.s32 v7, v10  }
0x189: {  	[tilespmem:v17+s22+$0x0] =	vst.idx.msk $0xffff, v19;
	v57 =	vld.idx.msk [tilespmem:v22+s20+$0x0], $0xffff;
	v58 =	vor.u32 s8, v3  }
0x18a: {  	[tilespmem:v18+s22+$0x0] =	vst.idx.msk $0xffff, v21;
	v59 =	vld.idx.msk [tilespmem:v23+s20+$0x0], $0xffff;
	v60 =	vor.u32 s12, v3  }
0x18b: {  	v61 =	vor.u32 s13, v3;
	[tilespmem:v53+s22+$0x0] =	vst.idx.msk $0xffff, v13;
	v9 =	vld.idx.msk [tilespmem:v9+s20+$0x0], $0xffff  }
0x18c: {  	v62 =	vor.u32 s10, v3;
	[tilespmem:v14+s22+$0x0] =	vst.idx.msk $0xffff, v54;
	v8 =	vld.idx.msk [tilespmem:v8+s20+$0x0], $0xffff  }
0x18d: {  	v63 =	vor.u32 s24, v3;
	v6 =	vand.u32 $0x3FFF, v6;
	[tilespmem:v56+s22+$0x0] =	vst.idx.msk $0xffff, v55;
	v7 =	vld.idx.msk [tilespmem:v7+s20+$0x0], $0xffff  }
0x18e: {  	v6 =	vnsel vm1, $0x4000, v6;
	[tilespmem:v58+s22+$0x0] =	vst.idx.msk $0xffff, v57  }
0x18f: {  	[tilespmem:v60+s22+$0x0] =	vst.idx.msk $0xffff, v59  }
0x190: {  	s0 =	sadd.s32 $0x1, s0;
	[tilespmem:v61+s22+$0x0] =	vst.idx.msk $0xffff, v9  }
0x191: {  	p3 =	seq.s32 s0, s29;
	[tilespmem:v62+s22+$0x0] =	vst.idx.msk $0xffff, v8  }
.Ltmp27:
0x192: {  	[tilespmem:v63+s22+$0x0] =	vst.idx.msk $0xffff, v7;
	(pc) =	sbr.rel @!p3 .LBB2_38-.Ltmp27, $4  }
0x193: {  	[hbm4b:s5+s3] =	stream.indirect_vreg.scatter [tilespmem:s22], [sflag:$0x3], $0x80, v6, vm0, $0xb8;
	[tilespmem:$0x1C900] =	vst v63  }
0x194: {  	_ =	swait.ge [sflag:s16], $0x800  }
0x195: {  	[sflag:s16] =	ssyncset.done $0x0  }
0x196: {  	[sflag:s16] =	ssyncadd.s32 $0xFFFFF800  }
.LBB2_41:
.Ltmp28:
0x197: {  	(pc) =	sbr.rel @p2 .LBB2_49-.Ltmp28, $4  }
.Ltmp29:
0x198: {  	(pc) =	sbr.rel @!p2 .LBB2_48-.Ltmp29, $4  }
0x199: {  	_ = 	snop  }
0x19a: {  	_ = 	snop  }
0x19b: {  	s0 =	smov.u32 s9  }
0x19c: {  	_ = 	snop  }
.LBB2_42:
.Ltmp30:
0x19d: {  	(pc) =	sbr.rel @p3 .LBB2_47-.Ltmp30, $1  }
0x19e: {  	_ =	sdelay $0x3  }
0x19f: {  	v5 =	vmov s0;
	s30 =	simm.s32 $0x0;
	s0 =	simm.s32 $0x0  }
.LBB2_44:
0x1a0: {  	s1 =	sshll.u32 s0, $0x4  }
0x1a1: {  	v6 =	vld [tilespmem:s1+$0x8080]  }
0x1a2: {  	s31 =	simm.s32 $0x7;
	v15 =	vmov s30;
	v24 =	vor.u32 s30, v3  }
0x1a3: {  	s2 =	simm.s32 $0x6;
	s8 =	simm.s32 $0x5;
	s10 =	simm.s32 $0x4;
	v7 =	vor.u32 s1, v1;
	v16 =	vmov s31;
	v15 =	vshll.u32 v15, $0x9  }
0x1a4: {  	s12 =	simm.s32 $0x3;
	s13 =	simm.s32 $0x2;
	s24 =	simm.s32 $0x1;
	v17 =	vmov s2;
	v18 =	vmov s8;
	v19 =	vmov s10  }
0x1a5: {  	v20 =	vmov s12;
	v21 =	vmov s13;
	v22 =	vmov s24  }
0x1a6: {  	v26 =	vor.u32 s31, v3;
	vm1 =	vlt.s32 v7, v5;
	v7 =	vshra.s32 v6, $0xE  }
0x1a7: {  	v28 =	vor.u32 s2, v3;
	v30 =	vor.u32 s8, v3;
	v7 =	vnsel vm1, $0x0, v7  }
0x1a8: {  	v16 =	vshll.u32 v16, $0x9;
	v17 =	vshll.u32 v17, $0x9;
	v8 =	vshll.u32 v7, $0x3  }
0x1a9: {  	v18 =	vshll.u32 v18, $0x9;
	v7 =	vand.u32 $0x7F, v7;
	v8 =	vand.u32 $0xFFFFFC00, v8  }
0x1aa: {  	v19 =	vshll.u32 v19, $0x9;
	v20 =	vshll.u32 v20, $0x9;
	v10 =	vor.u32 v7, v8  }
0x1ab: {  	v16 =	vand.u32 $0x7000, v16;
	v14 =	vor.u32 $0x380, v10;
	v15 =	vadd.s32 v10, v15  }
0x1ac: {  	v17 =	vand.u32 $0x7000, v17;
	v13 =	vor.u32 $0x300, v10;
	v16 =	vadd.s32 v14, v16  }
0x1ad: {  	v18 =	vand.u32 $0x7000, v18;
	v12 =	vor.u32 $0x280, v10;
	v17 =	vadd.s32 v13, v17  }
0x1ae: {  	v20 =	vand.u32 $0x7000, v20;
	v9 =	vor.u32 $0x180, v10;
	v18 =	vadd.s32 v12, v18  }
0x1af: {  	v19 =	vand.u32 $0x7000, v19;
	v11 =	vor.u32 $0x200, v10;
	v20 =	vadd.s32 v9, v20  }
0x1b0: {  	v21 =	vshll.u32 v21, $0x9;
	v22 =	vshll.u32 v22, $0x9;
	v19 =	vadd.s32 v11, v19;
	v23 =	vld.idx.msk [tilespmem:v15+s20+$0x0], $0xffff  }
0x1b1: {  	v21 =	vand.u32 $0x7000, v21;
	v8 =	vor.u32 $0x100, v10;
	v15 =	vand.u32 $0x7000, v22;
	v22 =	vld.idx.msk [tilespmem:v16+s20+$0x0], $0xffff  }
0x1b2: {  	s4 =	simm.s32 $0x8;
	v32 =	vor.u32 s10, v3;
	v7 =	vor.u32 $0x80, v10;
	v21 =	vadd.s32 v8, v21;
	v27 =	vld.idx.msk [tilespmem:v17+s20+$0x0], $0xffff  }
0x1b3: {  	s15 =	simm.s32 $0xE;
	s8 =	simm.s32 $0xD;
	v34 =	vor.u32 s12, v3;
	s12 =	simm.s32 $0xC;
	v16 =	vmov s4;
	v25 =	vadd.s32 v7, v15;
	v29 =	vld.idx.msk [tilespmem:v18+s20+$0x0], $0xffff  }
0x1b4: {  	s14 =	simm.s32 $0xF;
	v17 =	vmov s15;
	v33 =	vld.idx.msk [tilespmem:v20+s20+$0x0], $0xffff;
	v18 =	vmov s8;
	v20 =	vmov s12  }
0x1b5: {  	v31 =	vld.idx.msk [tilespmem:v19+s20+$0x0], $0xffff;
	v15 =	vshll.u32 v16, $0x9;
	v16 =	vmov s14;
	v17 =	vshll.u32 v17, $0x9  }
0x1b6: {  	v15 =	vadd.s32 v10, v15;
	v16 =	vshll.u32 v16, $0x9;
	v19 =	vand.u32 $0x7000, v17;
	[tilespmem:v24+s22+$0x0] =	vst.idx.msk $0xffff, v23  }
0x1b7: {  	v17 =	vor.u32 s13, v3;
	v23 =	vshll.u32 v20, $0x9;
	v20 =	vadd.s32 v13, v19;
	v19 =	vld.idx.msk [tilespmem:v21+s20+$0x0], $0xffff;
	[tilespmem:v26+s22+$0x0] =	vst.idx.msk $0xffff, v22  }
0x1b8: {  	s10 =	simm.s32 $0xA;
	v16 =	vand.u32 $0x7000, v16;
	v22 =	vshll.u32 v18, $0x9;
	v18 =	vor.u32 s24, v3;
	[tilespmem:v28+s22+$0x0] =	vst.idx.msk $0xffff, v27;
	v21 =	vld.idx.msk [tilespmem:v25+s20+$0x0], $0xffff  }
0x1b9: {  	s13 =	simm.s32 $0xB;
	v16 =	vadd.s32 v14, v16;
	v24 =	vmov s10;
	[tilespmem:v30+s22+$0x0] =	vst.idx.msk $0xffff, v29  }
0x1ba: {  	v26 =	vmov s13;
	v23 =	vand.u32 $0x7000, v23;
	[tilespmem:v32+s22+$0x0] =	vst.idx.msk $0xffff, v31;
	v22 =	vand.u32 $0x7000, v22  }
0x1bb: {  	s1 =	simm.s32 $0x10;
	s24 =	simm.s32 $0x9;
	[tilespmem:v34+s22+$0x0] =	vst.idx.msk $0xffff, v33;
	v25 =	vshll.u32 v26, $0x9;
	v23 =	vadd.s32 v11, v23;
	v22 =	vadd.s32 v12, v22  }
.LBB2_45:
0x1bc: {  	p3 =	slt.u32 s1, $0x38;
	v26 =	vmov s24;
	v24 =	vshll.u32 v24, $0x9;
	v25 =	vand.u32 $0x7000, v25;
	[tilespmem:v17+s22+$0x0] =	vst.idx.msk $0xffff, v19  }
0x1bd: {  	v17 =	vld.idx.msk [tilespmem:v15+s20+$0x0], $0xffff;
	v15 =	vshll.u32 v26, $0x9;
	v19 =	vand.u32 $0x7000, v24;
	v24 =	vadd.s32 v9, v25;
	[tilespmem:v18+s22+$0x0] =	vst.idx.msk $0xffff, v21  }
0x1be: {  	v18 =	vor.u32 s4, v3;
	s4 =	smov.u32 s1;
	v15 =	vand.u32 $0x7000, v15;
	v19 =	vadd.s32 v8, v19;
	v25 =	vld.idx.msk [tilespmem:v16+s20+$0x0], $0xffff  }
0x1bf: {  	v26 =	vor.u32 s14, v3;
	s14 =	sadd.s32 $0x7, s1;
	v16 =	vmov s1;
	v21 =	vadd.s32 v7, v15;
	v20 =	vld.idx.msk [tilespmem:v20+s20+$0x0], $0xffff  }
0x1c0: {  	v27 =	vor.u32 s15, v3;
	v15 =	vshll.u32 v16, $0x9;
	v16 =	vmov s14;
	v22 =	vld.idx.msk [tilespmem:v22+s20+$0x0], $0xffff  }
0x1c1: {  	s15 =	sadd.s32 $0x6, s1;
	v28 =	vor.u32 s8, v3;
	v15 =	vadd.s32 v10, v15;
	v16 =	vshll.u32 v16, $0x9;
	v23 =	vld.idx.msk [tilespmem:v23+s20+$0x0], $0xffff  }
0x1c2: {  	v29 =	vmov s15;
	v16 =	vand.u32 $0x7000, v16;
	v30 =	vld.idx.msk [tilespmem:v24+s20+$0x0], $0xffff;
	v24 =	vor.u32 s12, v3  }
0x1c3: {  	s8 =	sadd.s32 $0x5, s1;
	v31 =	vor.u32 s13, v3;
	v29 =	vshll.u32 v29, $0x9;
	v16 =	vadd.s32 v14, v16;
	[tilespmem:v18+s22+$0x0] =	vst.idx.msk $0xffff, v17;
	v19 =	vld.idx.msk [tilespmem:v19+s20+$0x0], $0xffff  }
.Ltmp31:
0x1c4: {  	v29 =	vand.u32 $0x7000, v29;
	s12 =	sadd.s32 $0x4, s1;
	v18 =	vmov s8;
	v17 =	vor.u32 s10, v3;
	v21 =	vld.idx.msk [tilespmem:v21+s20+$0x0], $0xffff;
	[tilespmem:v26+s22+$0x0] =	vst.idx.msk $0xffff, v25;
	(pc) =	sbr.rel @p3 .LBB2_45-.Ltmp31, $4  }
0x1c5: {  	v25 =	vmov s12;
	v26 =	vshll.u32 v18, $0x9;
	v18 =	vor.u32 s24, v3;
	[tilespmem:v27+s22+$0x0] =	vst.idx.msk $0xffff, v20  }
0x1c6: {  	s13 =	sadd.s32 $0x3, s1;
	v25 =	vshll.u32 v25, $0x9;
	v26 =	vand.u32 $0x7000, v26;
	v20 =	vadd.s32 v13, v29;
	[tilespmem:v28+s22+$0x0] =	vst.idx.msk $0xffff, v22  }
0x1c7: {  	s10 =	sadd.s32 $0x2, s1;
	v27 =	vmov s13;
	v28 =	vand.u32 $0x7000, v25;
	v22 =	vadd.s32 v12, v26;
	[tilespmem:v24+s22+$0x0] =	vst.idx.msk $0xffff, v23  }
0x1c8: {  	s1 =	sadd.s32 $0x8, s1;
	s24 =	sadd.s32 $0x1, s4;
	v25 =	vshll.u32 v27, $0x9;
	v24 =	vmov s10;
	v23 =	vadd.s32 v11, v28;
	[tilespmem:v31+s22+$0x0] =	vst.idx.msk $0xffff, v30  }
0x1c9: {  	_ =	sdelay $0x1  }
0x1ca: {  	v10 =	vmov s24  }
0x1cb: {  	v11 =	vshll.u32 v24, $0x9;
	v12 =	vand.u32 $0x7000, v25;
	v53 =	vor.u32 s4, v3  }
0x1cc: {  	v13 =	vld.idx.msk [tilespmem:v15+s20+$0x0], $0xffff;
	v10 =	vshll.u32 v10, $0x9;
	v11 =	vand.u32 $0x7000, v11;
	v9 =	vadd.s32 v9, v12  }
0x1cd: {  	v54 =	vld.idx.msk [tilespmem:v16+s20+$0x0], $0xffff;
	v14 =	vor.u32 s14, v3;
	v10 =	vand.u32 $0x7000, v10;
	v8 =	vadd.s32 v8, v11  }
0x1ce: {  	v55 =	vld.idx.msk [tilespmem:v20+s20+$0x0], $0xffff;
	v56 =	vor.u32 s15, v3;
	v7 =	vadd.s32 v7, v10  }
0x1cf: {  	[tilespmem:v17+s22+$0x0] =	vst.idx.msk $0xffff, v19;
	v57 =	vld.idx.msk [tilespmem:v22+s20+$0x0], $0xffff;
	v58 =	vor.u32 s8, v3  }
0x1d0: {  	[tilespmem:v18+s22+$0x0] =	vst.idx.msk $0xffff, v21;
	v59 =	vld.idx.msk [tilespmem:v23+s20+$0x0], $0xffff;
	v60 =	vor.u32 s12, v3  }
0x1d1: {  	v61 =	vor.u32 s13, v3;
	[tilespmem:v53+s22+$0x0] =	vst.idx.msk $0xffff, v13;
	v9 =	vld.idx.msk [tilespmem:v9+s20+$0x0], $0xffff  }
0x1d2: {  	v62 =	vor.u32 s10, v3;
	[tilespmem:v14+s22+$0x0] =	vst.idx.msk $0xffff, v54;
	v8 =	vld.idx.msk [tilespmem:v8+s20+$0x0], $0xffff  }
0x1d3: {  	v63 =	vor.u32 s24, v3;
	v6 =	vand.u32 $0x3FFF, v6;
	[tilespmem:v56+s22+$0x0] =	vst.idx.msk $0xffff, v55;
	v7 =	vld.idx.msk [tilespmem:v7+s20+$0x0], $0xffff  }
0x1d4: {  	v6 =	vnsel vm1, $0x4000, v6;
	[tilespmem:v58+s22+$0x0] =	vst.idx.msk $0xffff, v57  }
0x1d5: {  	[tilespmem:v60+s22+$0x0] =	vst.idx.msk $0xffff, v59  }
0x1d6: {  	s0 =	sadd.s32 $0x1, s0;
	[tilespmem:v61+s22+$0x0] =	vst.idx.msk $0xffff, v9  }
0x1d7: {  	p3 =	sne.s32 s0, s29;
	[tilespmem:v62+s22+$0x0] =	vst.idx.msk $0xffff, v8  }
.Ltmp32:
0x1d8: {  	[tilespmem:v63+s22+$0x0] =	vst.idx.msk $0xffff, v7;
	(pc) =	sbr.rel @p3 .LBB2_44-.Ltmp32, $4  }
0x1d9: {  	[hbm4b:s6+s3] =	stream.indirect_vreg.scatter [tilespmem:s22], [sflag:$0x3], $0x80, v6, vm0, $0xb8;
	[tilespmem:$0x1C900] =	vst v63  }
0x1da: {  	_ =	swait.ge [sflag:s16], $0x800  }
0x1db: {  	[sflag:s16] =	ssyncset.done $0x0  }
0x1dc: {  	[sflag:s16] =	ssyncadd.s32 $0xFFFFF800  }
.LBB2_47:
.Ltmp33:
0x1dd: {  	(pc) =	sbr.rel @p2 .LBB2_49-.Ltmp33, $4  }
.Ltmp34:
0x1de: {  	(pc) =	sbr.rel @!p2 .LBB2_48-.Ltmp34, $4  }
0x1df: {  	_ = 	snop  }
0x1e0: {  	_ = 	snop  }
0x1e1: {  	s0 =	smov.u32 s11  }
0x1e2: {  	_ = 	snop  }
.LBB2_6:
.Ltmp35:
0x1e3: {  	(pc) =	sbr.rel .LBB2_11-.Ltmp35, $2  }
0x1e4: {  	_ =	sdelay $0x2  }
0x1e5: {  	s8 =	simm.s32 $0x0  }
.LBB2_29:
.Ltmp36:
0x1e6: {  	(pc) =	sbr.rel .LBB2_34-.Ltmp36, $2  }
0x1e7: {  	_ =	sdelay $0x2  }
0x1e8: {  	s8 =	simm.s32 $0x0  }
.LBB2_8:
.Ltmp37:
0x1e9: {  	(pc) =	sbr.rel .LBB2_11-.Ltmp37, $2  }
0x1ea: {  	_ =	sdelay $0x2  }
0x1eb: {  	s8 =	simm.s32 $0x0  }
.LBB2_31:
.Ltmp38:
0x1ec: {  	(pc) =	sbr.rel .LBB2_34-.Ltmp38, $2  }
0x1ed: {  	_ =	sdelay $0x2  }
0x1ee: {  	s8 =	simm.s32 $0x0  }
.LBB2_51:
0x1ef: {  	_ =	sfence.sel $0x180000  }
0x1f0: {  	[bflag:$0x0] =	sbarrier.arrive $0xFFFF  }
0x1f1: {  	_ =	strace $0x90000047  }
0x1f2: {  	s0 =	stileid.u32;
	[bflag:$0x2] =	sbarrier.arrive $0xFFFF  }
0x1f3: {  	p0 =	sne.s32 s0, $0x0;
	s0 =	rddreg [dreg:$0x4]  }
0x1f4: {  	s0 =	sadd.s32 @!p0 $0x100000, s0  }
0x1f5: {  	[sflag:s0] =	ssyncadd.tile.s32 @!p0 $0x1;
	_ =	shalt  }
.Lfunc_end2:
_tile_overlayer_lowered:
.L_overlay_start_2:
0x1f6: {  	(tag) =	ssettag $0x2  }
0x1f7: {  	s0 =	rddreg [dreg:$0x0];
	s2 =	stileid.u32  }
0x1f8: {  	s1 =	rddreg [dreg:$0x1];
	p0 =	sne.s32 s2, $0x0  }
0x1f9: {  	s3 =	rddreg [dreg:$0x2];
	[bflag:$0x3] =	sbarrier.arrive $0xFFFF;
	s2 =	simm.s32 @!p0 $0x1C03  }
0x1fa: {  	[timem:s3], [sflag:s2] =	dma.local @!p0 [hbm:s0], s1  }
0x1fb: {  	s0 =	simm.s32 @!p0 $0x3  }
0x1fc: {  	_ =	swait.ge @!p0 [sflag:s0], s1  }
0x1fd: {  	s1 =	ssub.s32 @!p0 $0x0, s1;
	[sflag:s0] =	ssyncset.done @!p0 $0x0  }
0x1fe: {  	[sflag:s0] =	ssyncadd.s32 @!p0 s1  }
0x1ff: {  	[bflag:$0x3] =	sbarrier.arrive $0xFFFF  }
0x200: {  	_ =	shalt  }

</sc_bundles>
